<compile_context>
chip_gen: v7x
topology: tpu7x:2x2x1
jax: 0.10.2.dev20260603
libtpu: 0.0.44.dev20260713+nightly
codegen_flags: <defaults>
</compile_context>

<pallas_src>
import functools

import jax
import jax.numpy as jnp
from jax import lax
from jax.experimental import pallas as pl
from jax.experimental.pallas import tpu as pltpu
from jax.experimental.pallas import tpu_sc as plsc

_NC, _NS = 2, 16
_NW = _NC * _NS
_C = 32
_ZMAX = 12


def _sc_body(t, f, nb, x_hbm, len_hbm, marker_hbm, zeros_hbm, out_hbm,
             zbuf, mbuf, lbuf, pbuf, rd_sem, wr_sem, zsem):
    ncb = t // _C
    nslots = nb * ncb // _NW
    b_ax = lax.axis_index("s")
    c_ax = lax.axis_index("c")
    w = b_ax * _NC + c_ax

    pltpu.sync_copy(zeros_hbm, zbuf)
    pltpu.sync_copy(marker_hbm, mbuf)
    pltpu.sync_copy(len_hbm, lbuf)

    lvec = lbuf[...]
    lane = lax.broadcasted_iota(jnp.int32, (16,), 0)
    cbvec = lvec // _C

    def _slot(i):
        bi = jnp.minimum(i // 2, nb - 1)
        par = lax.rem(i, 2)
        rot = lax.rem(w + 17 * _NW - 17 * bi, _NW)
        ci = rot + (ncb // 2) * par
        cbi = jnp.sum(jnp.where(lane == bi, cbvec, 0))
        leni = jnp.sum(jnp.where(lane == bi, lvec, 0))
        return bi, ci, cbi, leni

    def _xchunk(bi, ci):
        return x_hbm.at[bi, pl.ds(ci * _C, _C)]

    def _ochunk(bi, ci):
        return out_hbm.at[pl.ds(ci * _C, _C), pl.ds(bi, 1)]

    def _wait(sem_ref):
        pltpu.make_async_copy(zbuf, _ochunk(0, 0), sem_ref).wait()

    b0, ch0, cb0, _ = _slot(0)

    @pl.when(ch0 < cb0)
    def _prime():
        pltpu.async_copy(_xchunk(b0, ch0), pbuf.at[0, :, 0], rd_sem.at[0])

    def _body(i, carry):
        w0, w1, zc = carry
        p = lax.rem(i, 2)
        q = 1 - p
        wp = jnp.where(p == 0, w0, w1)
        wq = jnp.where(p == 0, w1, w0)
        bi, ci, cbi, leni = _slot(i)
        is_copy = ci < cbi
        is_zero = ci > cbi

        bn, cn, cbn, _ = _slot(i + 1)
        next_copy = (i + 1 < nslots) & (cn < cbn)

        @pl.when(next_copy)
        def _prefetch():
            @pl.when(wq > 0)
            def _free():
                _wait(wr_sem.at[q])
            pltpu.async_copy(_xchunk(bn, cn), pbuf.at[q, :, 0],
                             rd_sem.at[q])

        wq = jnp.where(next_copy, 0, wq)

        @pl.when(is_copy)
        def _copy():
            pltpu.make_async_copy(_xchunk(bi, ci), pbuf.at[p, :, 0],
                                  rd_sem.at[p]).wait()
            pltpu.async_copy(pbuf.at[p], _ochunk(bi, ci), wr_sem.at[p])

        wp = jnp.where(is_copy, 1, wp)

        @pl.when(is_zero & (zc >= _ZMAX))
        def _zthrottle():
            _wait(zsem)

        @pl.when(is_zero)
        def _zfire():
            pltpu.async_copy(zbuf, _ochunk(bi, ci), zsem)

        zc = zc - jnp.where(is_zero & (zc >= _ZMAX), 1, 0) \
            + jnp.where(is_zero, 1, 0)

        is_bnd = ci == cbi

        @pl.when(is_bnd & (wp > 0))
        def _bfree():
            _wait(wr_sem.at[p])

        wp = jnp.where(is_bnd, 0, wp)

        @pl.when(is_bnd)
        def _boundary():
            nv = leni - cbi * _C
            pltpu.sync_copy(_xchunk(bi, ci), pbuf.at[p, :, 0])

            def _row_body(r, rcarry):
                def _grp_body(j, gcarry):
                    mv = mbuf[pl.ds(j * 16, 16)]
                    res = jnp.where(r == nv, mv, jnp.zeros_like(mv))
                    pbuf[p, r, 0, pl.ds(j * 16, 16)] = res
                    return gcarry
                return lax.fori_loop(0, f // 16, _grp_body, rcarry)

            lax.fori_loop(nv, _C, _row_body, 0)
            pltpu.sync_copy(pbuf.at[p], _ochunk(bi, ci))

        w0 = jnp.where(p == 0, wp, wq)
        w1 = jnp.where(p == 0, wq, wp)
        return w0, w1, zc

    w0, w1, zc = lax.fori_loop(
        0, nslots, _body,
        (jnp.int32(0), jnp.int32(0), jnp.int32(0)))

    @pl.when(w0 > 0)
    def _dw0():
        _wait(wr_sem.at[0])

    @pl.when(w1 > 0)
    def _dw1():
        _wait(wr_sem.at[1])

    def _zdrain(i, carry):
        _wait(zsem)
        return carry

    lax.fori_loop(0, zc, _zdrain, 0)

    @pl.when(w < nb)
    def _last_row():
        pltpu.sync_copy(zbuf.at[pl.ds(0, 1)],
                        out_hbm.at[pl.ds(t, 1), pl.ds(w, 1)])


def kernel(x, length, marker):
    b, t, f = x.shape
    length = length.astype(jnp.int32)
    zeros_chunk = jnp.zeros((_C, 1, f), dtype=x.dtype)

    mesh = plsc.VectorSubcoreMesh(
        core_axis_name="c", subcore_axis_name="s",
        num_cores=_NC, num_subcores=_NS)

    sc_call = functools.partial(
        pl.kernel,
        out_type=jax.ShapeDtypeStruct((t + 1, b, f), x.dtype),
        mesh=mesh,
        compiler_params=pltpu.CompilerParams(needs_layout_passes=False),
        scratch_types=[
            pltpu.VMEM((_C, 1, f), x.dtype),
            pltpu.VMEM((f,), x.dtype),
            pltpu.VMEM((16,), jnp.int32),
            pltpu.VMEM((2, _C, 1, f), x.dtype),
            pltpu.SemaphoreType.DMA((2,)),
            pltpu.SemaphoreType.DMA((2,)),
            pltpu.SemaphoreType.DMA,
        ],
    )(functools.partial(_sc_body, t, f, b))

    out_raw = sc_call(x, length, marker, zeros_chunk)
    x_eos = jnp.transpose(out_raw, (1, 0, 2))
    length_eos = length.astype(jnp.float32) + 1.0
    return x_eos, length_eos

# --- scband reference (transcript-rebuilt; emitter-appended) ---
"""Pipeline reference for scband-end-of-sequence-marker-39994735460411 (READ-ONLY COPY).

The authoritative reference and input builder live on the scoring server;
editing this copy changes nothing except your own understanding.
"""

import jax, jax.numpy as jnp
import numpy as np

B, T, F = 16, 2048, 1024

def _fixed_marker(feature_size):
    # alternating ones and zeros, matching torch marker[::2] = 1.0
    m = jnp.zeros((feature_size,), dtype=jnp.float32)
    m = m.at[::2].set(1.0)
    return m

def setup_inputs(seed: int = 0) -> dict:
    key = jax.random.key(seed)
    k1, k2 = jax.random.split(key)
    x = jax.random.normal(k1, (B, T, F), dtype=jnp.float32)
    length = jax.random.randint(k2, (B,), 0, T).astype(jnp.int32)
    marker = _fixed_marker(F)
    return {"x": x, "length": length, "marker": marker}

def reference(x, length, marker):
    # Faithful translation of EndOfSequenceMarker.forward with
    # concat_padded_features([x, marker_frame], [length, ones], length_mode='absolute').
    # Output padded time dim = T + 1; for each batch element b:
    #   out[b, :length[b]]      = x[b, :length[b]]
    #   out[b, length[b]]       = marker
    #   out[b, length[b]+1:]    = 0 (padding)
    b, t, f = x.shape
    x_pad = jnp.pad(x, ((0, 0), (0, 1), (0, 0)))  # (B, T+1, F)
    pos = jnp.arange(t + 1)[None, :]               # (1, T+1)
    len_b = length[:, None].astype(jnp.int32)      # (B, 1)
    valid_mask = (pos < len_b)[..., None]          # (B, T+1, 1)
    eos_mask = (pos == len_b)[..., None]           # (B, T+1, 1)
    out = jnp.where(valid_mask, x_pad, jnp.zeros((), dtype=x.dtype))
    marker_b = jnp.broadcast_to(marker[None, None, :], (b, t + 1, f))
    x_eos = jnp.where(eos_mask, marker_b, out)
    length_eos = length.astype(jnp.float32) + 1.0
    return x_eos, length_eos

if __name__ == "__main__":
    import jax
    _d = setup_inputs()
    print(jax.jit(kernel)(*tuple(_d.values())))

</pallas_src>

<mosaic_0001>
#map = affine_map<(d0, d1) -> (0, 0, 0)>
#map1 = affine_map<(d0, d1) -> (0)>
module attributes {stable_mosaic.version = 14 : i64} {
  func.func @_sc_body(%arg0: i32, %arg1: i32, %arg2: memref<16x2048x1024xf32, #tpu.memory_space<hbm>>, %arg3: memref<16xi32, #tpu.memory_space<hbm>>, %arg4: memref<1024xf32, #tpu.memory_space<hbm>>, %arg5: memref<32x1x1024xf32, #tpu.memory_space<hbm>>, %arg6: memref<2049x16x1024xf32, #tpu.memory_space<hbm>>, %arg7: memref<32x1x1024xf32, #tpu.memory_space<vmem>>, %arg8: memref<1024xf32, #tpu.memory_space<vmem>>, %arg9: memref<16xi32, #tpu.memory_space<vmem>>, %arg10: memref<2x32x1x1024xf32, #tpu.memory_space<vmem>>, %arg11: memref<2x!tpu.dma_semaphore, #tpu.memory_space<semaphore_mem>>, %arg12: memref<2x!tpu.dma_semaphore, #tpu.memory_space<semaphore_mem>>, %arg13: memref<!tpu.dma_semaphore, #tpu.memory_space<semaphore_mem>>) attributes {dimension_semantics = [#tpu.dimension_semantics<core_parallel>, #tpu.dimension_semantics<subcore_parallel>], iteration_bounds = array<i64: 2, 16>, scalar_prefetch = 0 : i64, scratch_operands = 7 : i64, tpu.core_type = #tpu.core_type<sc_vector_subcore>, window_params = [{transform_indices = #map}, {transform_indices = #map1}, {transform_indices = #map1}, {transform_indices = #map}, {transform_indices = #map}]} {
    %mul3A = arith.constant 2 : i32
    %mul3A_0 = arith.muli %arg1, %mul3A : i32
    %add3A = arith.addi %mul3A_0, %arg0 : i32
    "tpu.region"() ({
      %run_scoped3A = tpu.sem_alloc : memref<!tpu.dma_semaphore, #tpu.memory_space<semaphore_mem>>
      tpu.enqueue_dma source(%arg5 : memref<32x1x1024xf32, #tpu.memory_space<hbm>>) target(%arg7 : memref<32x1x1024xf32, #tpu.memory_space<vmem>>) target_semaphore(%run_scoped3A : memref<!tpu.dma_semaphore, #tpu.memory_space<semaphore_mem>>)
      tpu.wait_dma2 semaphore(%run_scoped3A : memref<!tpu.dma_semaphore, #tpu.memory_space<semaphore_mem>>) src(%arg5 : memref<32x1x1024xf32, #tpu.memory_space<hbm>>) dst(%arg7 : memref<32x1x1024xf32, #tpu.memory_space<vmem>>)
      tpu.yield
    }) : () -> ()
    "tpu.region"() ({
      %run_scoped3A = tpu.sem_alloc : memref<!tpu.dma_semaphore, #tpu.memory_space<semaphore_mem>>
      tpu.enqueue_dma source(%arg4 : memref<1024xf32, #tpu.memory_space<hbm>>) target(%arg8 : memref<1024xf32, #tpu.memory_space<vmem>>) target_semaphore(%run_scoped3A : memref<!tpu.dma_semaphore, #tpu.memory_space<semaphore_mem>>)
      tpu.wait_dma2 semaphore(%run_scoped3A : memref<!tpu.dma_semaphore, #tpu.memory_space<semaphore_mem>>) src(%arg4 : memref<1024xf32, #tpu.memory_space<hbm>>) dst(%arg8 : memref<1024xf32, #tpu.memory_space<vmem>>)
      tpu.yield
    }) : () -> ()
    "tpu.region"() ({
      %run_scoped3A = tpu.sem_alloc : memref<!tpu.dma_semaphore, #tpu.memory_space<semaphore_mem>>
      tpu.enqueue_dma source(%arg3 : memref<16xi32, #tpu.memory_space<hbm>>) target(%arg9 : memref<16xi32, #tpu.memory_space<vmem>>) target_semaphore(%run_scoped3A : memref<!tpu.dma_semaphore, #tpu.memory_space<semaphore_mem>>)
      tpu.wait_dma2 semaphore(%run_scoped3A : memref<!tpu.dma_semaphore, #tpu.memory_space<semaphore_mem>>) src(%arg3 : memref<16xi32, #tpu.memory_space<hbm>>) dst(%arg9 : memref<16xi32, #tpu.memory_space<vmem>>)
      tpu.yield
    }) : () -> ()
    %get3A = arith.constant 0 : index
    %get3A_1 = tpu.vector_load %arg9[%get3A] {strides = array<i32>} : memref<16xi32, #tpu.memory_space<vmem>>, vector<16xi32>,
    %iota3A = tpu.iota {dimensions = array<i32: 0>} : vector<16xi32>
    %jit3A = arith.constant 32 : i32
    %div3A = vector.broadcast %jit3A : i32 to vector<16xi32>
    %div3A_2 = arith.divsi %get3A_1, %div3A : vector<16xi32>
    %sign3A = arith.constant 0 : i32
    %sign3A_3 = vector.broadcast %sign3A : i32 to vector<16xi32>
    %sign3A_4 = arith.cmpi sgt, %get3A_1, %sign3A_3 : vector<16xi32>
    %sign3A_5 = arith.extui %sign3A_4 : vector<16xi1> to vector<16xi32>
    %sign3A_6 = arith.constant 0 : i32
    %sign3A_7 = vector.broadcast %sign3A_6 : i32 to vector<16xi32>
    %sign3A_8 = arith.cmpi slt, %get3A_1, %sign3A_7 : vector<16xi32>
    %sign3A_9 = arith.extui %sign3A_8 : vector<16xi1> to vector<16xi32>
    %sign3A_10 = arith.subi %sign3A_5, %sign3A_9 : vector<16xi32>
    %sign3A_11 = arith.constant 0 : i32
    %sign3A_12 = arith.cmpi sgt, %jit3A, %sign3A_11 : i32
    %sign3A_13 = arith.extui %sign3A_12 : i1 to i32
    %sign3A_14 = arith.constant 0 : i32
    %sign3A_15 = arith.cmpi slt, %jit3A, %sign3A_14 : i32
    %sign3A_16 = arith.extui %sign3A_15 : i1 to i32
    %sign3A_17 = arith.subi %sign3A_13, %sign3A_16 : i32
    %ne3A = vector.broadcast %sign3A_17 : i32 to vector<16xi32>
    %ne3A_18 = arith.cmpi ne, %sign3A_10, %ne3A : vector<16xi32>
    %rem3A = vector.broadcast %jit3A : i32 to vector<16xi32>
    %rem3A_19 = arith.remsi %get3A_1, %rem3A : vector<16xi32>
    %ne3A_20 = arith.constant 0 : i32
    %ne3A_21 = vector.broadcast %ne3A_20 : i32 to vector<16xi32>
    %ne3A_22 = arith.cmpi ne, %rem3A_19, %ne3A_21 : vector<16xi32>
    %and3A = arith.andi %ne3A_18, %ne3A_22 : vector<16xi1>
    %sub3A = arith.constant 1 : i32
    %sub3A_23 = vector.broadcast %sub3A : i32 to vector<16xi32>
    %sub3A_24 = arith.subi %div3A_2, %sub3A_23 : vector<16xi32>
    %select_n3A = arith.select %and3A, %sub3A_24, %div3A_2 : vector<16xi1>, vector<16xi32>
    %min3A = arith.constant 0 : i32
    %min3A_25 = arith.constant 15 : i32
    %min3A_26 = arith.minsi %min3A, %min3A_25 : i32
    %rem3A_27 = arith.constant 0 : i32
    %rem3A_28 = arith.constant 2 : i32
    %rem3A_29 = arith.remsi %rem3A_27, %rem3A_28 : i32
    %add3A_30 = arith.constant 544 : i32
    %add3A_31 = arith.addi %add3A, %add3A_30 : i32
    %mul3A_32 = arith.constant 17 : i32
    %mul3A_33 = arith.muli %mul3A_32, %min3A_26 : i32
    %sub3A_34 = arith.subi %add3A_31, %mul3A_33 : i32
    %rem3A_35 = arith.constant 32 : i32
    %rem3A_36 = arith.remsi %sub3A_34, %rem3A_35 : i32
    %mul3A_37 = arith.constant 32 : i32
    %mul3A_38 = arith.muli %mul3A_37, %rem3A_29 : i32
    %add3A_39 = arith.addi %rem3A_36, %mul3A_38 : i32
    %eq3A = vector.broadcast %min3A_26 : i32 to vector<16xi32>
    %eq3A_40 = arith.cmpi eq, %iota3A, %eq3A : vector<16xi32>
    %jit3A_41 = arith.constant 0 : i32
    %broadcast_in_dim3A = vector.broadcast %jit3A_41 : i32 to vector<16xi32>
    %select_n3A_42 = arith.select %eq3A_40, %select_n3A, %broadcast_in_dim3A : vector<16xi1>, vector<16xi32>
    %reduce_sum3A = arith.constant true
    %reduce_sum3A_43 = vector.broadcast %reduce_sum3A : i1 to vector<16xi1>
    %reduce_sum3A_44 = tpu.scan <sum>, %select_n3A_42 masked %reduce_sum3A_43 : vector<16xi32>, vector<16xi1> -> vector<16xi32>
    %reduce_sum3A_45 = vector.extract %reduce_sum3A_44[15] : i32 from vector<16xi32>
    %eq3A_46 = vector.broadcast %min3A_26 : i32 to vector<16xi32>
    %eq3A_47 = arith.cmpi eq, %iota3A, %eq3A_46 : vector<16xi32>
    %jit3A_48 = arith.constant 0 : i32
    %broadcast_in_dim3A_49 = vector.broadcast %jit3A_48 : i32 to vector<16xi32>
    %select_n3A_50 = arith.select %eq3A_47, %get3A_1, %broadcast_in_dim3A_49 : vector<16xi1>, vector<16xi32>
    %reduce_sum3A_51 = arith.constant true
    %reduce_sum3A_52 = vector.broadcast %reduce_sum3A_51 : i1 to vector<16xi1>
    %reduce_sum3A_53 = tpu.scan <sum>, %select_n3A_50 masked %reduce_sum3A_52 : vector<16xi32>, vector<16xi1> -> vector<16xi32>
    %reduce_sum3A_54 = vector.extract %reduce_sum3A_53[15] : i32 from vector<16xi32>
    %lt3A = arith.cmpi slt, %add3A_39, %reduce_sum3A_45 : i32
    %convert_element_type3A = arith.extui %lt3A : i1 to i32
    %cond3A = arith.constant 0 : i32
    %cond3A_55 = arith.cmpi ne, %convert_element_type3A, %cond3A : i32
    scf.if %cond3A_55 {
      %mul3A_87 = arith.constant 32 : i32
      %mul3A_88 = arith.muli %add3A_39, %mul3A_87 : i32
      %dma_start3A = arith.constant 0 : i32
      %dma_start3A_89 = arith.constant 0 : i32
      %dma_start3A_90 = arith.constant 0 : i32
      %dma_start3A_91 = arith.constant 0 : i32
      %dma_start3A_92 = arith.constant 0 : i32
      %dma_start3A_93 = tpu.memref_slice %arg10[%dma_start3A, %dma_start3A_91, %dma_start3A_89, %dma_start3A_92] : memref<2x32x1x1024xf32, #tpu.memory_space<vmem>> -> memref<1x32x1x1024xf32, #tpu.memory_space<vmem>>
      %dma_start3A_94 = tpu.memref_squeeze %dma_start3A_93 : memref<1x32x1x1024xf32, #tpu.memory_space<vmem>> -> memref<32x1024xf32, #tpu.memory_space<vmem>>
      %dma_start3A_95 = arith.constant 0 : i32
      %dma_start3A_96 = tpu.memref_slice %arg2[%min3A_26, %mul3A_88, %dma_start3A_95] : memref<16x2048x1024xf32, #tpu.memory_space<hbm>> -> memref<1x32x1024xf32, #tpu.memory_space<hbm>>
      %dma_start3A_97 = tpu.memref_squeeze %dma_start3A_96 : memref<1x32x1024xf32, #tpu.memory_space<hbm>> -> memref<32x1024xf32, #tpu.memory_space<hbm>>
      %dma_start3A_98 = tpu.memref_slice %arg11[%dma_start3A_90] : memref<2x!tpu.dma_semaphore, #tpu.memory_space<semaphore_mem>> -> memref<1x!tpu.dma_semaphore, #tpu.memory_space<semaphore_mem>>
      %dma_start3A_99 = tpu.memref_squeeze %dma_start3A_98 : memref<1x!tpu.dma_semaphore, #tpu.memory_space<semaphore_mem>> -> memref<!tpu.dma_semaphore, #tpu.memory_space<semaphore_mem>>
      %dma_start3A_100 = arith.constant 0 : i32
      %dma_start3A_101 = arith.constant 0 : i32
      %dma_start3A_102 = tpu.memref_slice %arg10[%dma_start3A, %dma_start3A_100, %dma_start3A_89, %dma_start3A_101] : memref<2x32x1x1024xf32, #tpu.memory_space<vmem>> -> memref<1x32x1x1024xf32, #tpu.memory_space<vmem>>
      %dma_start3A_103 = tpu.memref_squeeze %dma_start3A_102 : memref<1x32x1x1024xf32, #tpu.memory_space<vmem>> -> memref<32x1024xf32, #tpu.memory_space<vmem>>
      %dma_start3A_104 = arith.constant 0 : i32
      %dma_start3A_105 = tpu.memref_slice %arg2[%min3A_26, %mul3A_88, %dma_start3A_104] : memref<16x2048x1024xf32, #tpu.memory_space<hbm>> -> memref<1x32x1024xf32, #tpu.memory_space<hbm>>
      %dma_start3A_106 = tpu.memref_squeeze %dma_start3A_105 : memref<1x32x1024xf32, #tpu.memory_space<hbm>> -> memref<32x1024xf32, #tpu.memory_space<hbm>>
      tpu.enqueue_dma source(%dma_start3A_106 : memref<32x1024xf32, #tpu.memory_space<hbm>>) target(%dma_start3A_103 : memref<32x1024xf32, #tpu.memory_space<vmem>>) target_semaphore(%dma_start3A_99 : memref<!tpu.dma_semaphore, #tpu.memory_space<semaphore_mem>>)
    } else {
    }
    %scan3A = arith.constant 0 : i32
    %scan3A_56 = arith.constant 0 : i32
    %scan3A_57 = arith.constant 0 : i32
    %scan3A_58 = arith.constant 0 : i32
    %scan3A_59 = arith.constant 32 : i32
    %scan3A_60 = arith.addi %scan3A_58, %scan3A_59 : i32
    %scan3A_61 = arith.constant 1 : i32
    %scan3A_62:3 = scf.for %scan3A_87 = %scan3A_58 to %scan3A_60 step %scan3A_61 iter_args(%scan3A_88 = %scan3A, %scan3A_89 = %scan3A_56, %scan3A_90 = %scan3A_57) -> (i32, i32, i32)  : i32 {
      %rem3A_91 = arith.constant 2 : i32
      %rem3A_92 = arith.remsi %scan3A_87, %rem3A_91 : i32
      %sub3A_93 = arith.constant 1 : i32
      %sub3A_94 = arith.subi %sub3A_93, %rem3A_92 : i32
      %eq3A_95 = arith.constant 0 : i32
      %eq3A_96 = arith.cmpi eq, %rem3A_92, %eq3A_95 : i32
      %select_n3A_97 = arith.select %eq3A_96, %scan3A_88, %scan3A_89 : i32
      %eq3A_98 = arith.constant 0 : i32
      %eq3A_99 = arith.cmpi eq, %rem3A_92, %eq3A_98 : i32
      %select_n3A_100 = arith.select %eq3A_99, %scan3A_89, %scan3A_88 : i32
      %jit3A_101 = arith.constant 2 : i32
      %div3A_102 = arith.divsi %scan3A_87, %jit3A_101 : i32
      %sign3A_103 = arith.constant 0 : i32
      %sign3A_104 = arith.cmpi sgt, %scan3A_87, %sign3A_103 : i32
      %sign3A_105 = arith.extui %sign3A_104 : i1 to i32
      %sign3A_106 = arith.constant 0 : i32
      %sign3A_107 = arith.cmpi slt, %scan3A_87, %sign3A_106 : i32
      %sign3A_108 = arith.extui %sign3A_107 : i1 to i32
      %sign3A_109 = arith.subi %sign3A_105, %sign3A_108 : i32
      %sign3A_110 = arith.constant 0 : i32
      %sign3A_111 = arith.cmpi sgt, %jit3A_101, %sign3A_110 : i32
      %sign3A_112 = arith.extui %sign3A_111 : i1 to i32
      %sign3A_113 = arith.constant 0 : i32
      %sign3A_114 = arith.cmpi slt, %jit3A_101, %sign3A_113 : i32
      %sign3A_115 = arith.extui %sign3A_114 : i1 to i32
      %sign3A_116 = arith.subi %sign3A_112, %sign3A_115 : i32
      %ne3A_117 = arith.cmpi ne, %sign3A_109, %sign3A_116 : i32
      %rem3A_118 = arith.remsi %scan3A_87, %jit3A_101 : i32
      %ne3A_119 = arith.constant 0 : i32
      %ne3A_120 = arith.cmpi ne, %rem3A_118, %ne3A_119 : i32
      %and3A_121 = arith.andi %ne3A_117, %ne3A_120 : i1
      %sub3A_122 = arith.constant 1 : i32
      %sub3A_123 = arith.subi %div3A_102, %sub3A_122 : i32
      %select_n3A_124 = arith.select %and3A_121, %sub3A_123, %div3A_102 : i32
      %min3A_125 = arith.constant 15 : i32
      %min3A_126 = arith.minsi %select_n3A_124, %min3A_125 : i32
      %rem3A_127 = arith.constant 2 : i32
      %rem3A_128 = arith.remsi %scan3A_87, %rem3A_127 : i32
      %add3A_129 = arith.constant 544 : i32
      %add3A_130 = arith.addi %add3A, %add3A_129 : i32
      %mul3A_131 = arith.constant 17 : i32
      %mul3A_132 = arith.muli %mul3A_131, %min3A_126 : i32
      %sub3A_133 = arith.subi %add3A_130, %mul3A_132 : i32
      %rem3A_134 = arith.constant 32 : i32
      %rem3A_135 = arith.remsi %sub3A_133, %rem3A_134 : i32
      %mul3A_136 = arith.constant 32 : i32
      %mul3A_137 = arith.muli %mul3A_136, %rem3A_128 : i32
      %add3A_138 = arith.addi %rem3A_135, %mul3A_137 : i32
      %eq3A_139 = vector.broadcast %min3A_126 : i32 to vector<16xi32>
      %eq3A_140 = arith.cmpi eq, %iota3A, %eq3A_139 : vector<16xi32>
      %jit3A_141 = arith.constant 0 : i32
      %broadcast_in_dim3A_142 = vector.broadcast %jit3A_141 : i32 to vector<16xi32>
      %select_n3A_143 = arith.select %eq3A_140, %select_n3A, %broadcast_in_dim3A_142 : vector<16xi1>, vector<16xi32>
      %reduce_sum3A_144 = arith.constant true
      %reduce_sum3A_145 = vector.broadcast %reduce_sum3A_144 : i1 to vector<16xi1>
      %reduce_sum3A_146 = tpu.scan <sum>, %select_n3A_143 masked %reduce_sum3A_145 : vector<16xi32>, vector<16xi1> -> vector<16xi32>
      %reduce_sum3A_147 = vector.extract %reduce_sum3A_146[15] : i32 from vector<16xi32>
      %eq3A_148 = vector.broadcast %min3A_126 : i32 to vector<16xi32>
      %eq3A_149 = arith.cmpi eq, %iota3A, %eq3A_148 : vector<16xi32>
      %jit3A_150 = arith.constant 0 : i32
      %broadcast_in_dim3A_151 = vector.broadcast %jit3A_150 : i32 to vector<16xi32>
      %select_n3A_152 = arith.select %eq3A_149, %get3A_1, %broadcast_in_dim3A_151 : vector<16xi1>, vector<16xi32>
      %reduce_sum3A_153 = arith.constant true
      %reduce_sum3A_154 = vector.broadcast %reduce_sum3A_153 : i1 to vector<16xi1>
      %reduce_sum3A_155 = tpu.scan <sum>, %select_n3A_152 masked %reduce_sum3A_154 : vector<16xi32>, vector<16xi1> -> vector<16xi32>
      %reduce_sum3A_156 = vector.extract %reduce_sum3A_155[15] : i32 from vector<16xi32>
      %lt3A_157 = arith.cmpi slt, %add3A_138, %reduce_sum3A_147 : i32
      %gt3A_158 = arith.cmpi sgt, %add3A_138, %reduce_sum3A_147 : i32
      %add3A_159 = arith.constant 1 : i32
      %add3A_160 = arith.addi %scan3A_87, %add3A_159 : i32
      %jit3A_161 = arith.constant 2 : i32
      %div3A_162 = arith.divsi %add3A_160, %jit3A_161 : i32
      %sign3A_163 = arith.constant 0 : i32
      %sign3A_164 = arith.cmpi sgt, %add3A_160, %sign3A_163 : i32
      %sign3A_165 = arith.extui %sign3A_164 : i1 to i32
      %sign3A_166 = arith.constant 0 : i32
      %sign3A_167 = arith.cmpi slt, %add3A_160, %sign3A_166 : i32
      %sign3A_168 = arith.extui %sign3A_167 : i1 to i32
      %sign3A_169 = arith.subi %sign3A_165, %sign3A_168 : i32
      %sign3A_170 = arith.constant 0 : i32
      %sign3A_171 = arith.cmpi sgt, %jit3A_161, %sign3A_170 : i32
      %sign3A_172 = arith.extui %sign3A_171 : i1 to i32
      %sign3A_173 = arith.constant 0 : i32
      %sign3A_174 = arith.cmpi slt, %jit3A_161, %sign3A_173 : i32
      %sign3A_175 = arith.extui %sign3A_174 : i1 to i32
      %sign3A_176 = arith.subi %sign3A_172, %sign3A_175 : i32
      %ne3A_177 = arith.cmpi ne, %sign3A_169, %sign3A_176 : i32
      %rem3A_178 = arith.remsi %add3A_160, %jit3A_161 : i32
      %ne3A_179 = arith.constant 0 : i32
      %ne3A_180 = arith.cmpi ne, %rem3A_178, %ne3A_179 : i32
      %and3A_181 = arith.andi %ne3A_177, %ne3A_180 : i1
      %sub3A_182 = arith.constant 1 : i32
      %sub3A_183 = arith.subi %div3A_162, %sub3A_182 : i32
      %select_n3A_184 = arith.select %and3A_181, %sub3A_183, %div3A_162 : i32
      %min3A_185 = arith.constant 15 : i32
      %min3A_186 = arith.minsi %select_n3A_184, %min3A_185 : i32
      %rem3A_187 = arith.constant 2 : i32
      %rem3A_188 = arith.remsi %add3A_160, %rem3A_187 : i32
      %add3A_189 = arith.constant 544 : i32
      %add3A_190 = arith.addi %add3A, %add3A_189 : i32
      %mul3A_191 = arith.constant 17 : i32
      %mul3A_192 = arith.muli %mul3A_191, %min3A_186 : i32
      %sub3A_193 = arith.subi %add3A_190, %mul3A_192 : i32
      %rem3A_194 = arith.constant 32 : i32
      %rem3A_195 = arith.remsi %sub3A_193, %rem3A_194 : i32
      %mul3A_196 = arith.constant 32 : i32
      %mul3A_197 = arith.muli %mul3A_196, %rem3A_188 : i32
      %add3A_198 = arith.addi %rem3A_195, %mul3A_197 : i32
      %eq3A_199 = vector.broadcast %min3A_186 : i32 to vector<16xi32>
      %eq3A_200 = arith.cmpi eq, %iota3A, %eq3A_199 : vector<16xi32>
      %jit3A_201 = arith.constant 0 : i32
      %broadcast_in_dim3A_202 = vector.broadcast %jit3A_201 : i32 to vector<16xi32>
      %select_n3A_203 = arith.select %eq3A_200, %select_n3A, %broadcast_in_dim3A_202 : vector<16xi1>, vector<16xi32>
      %reduce_sum3A_204 = arith.constant true
      %reduce_sum3A_205 = vector.broadcast %reduce_sum3A_204 : i1 to vector<16xi1>
      %reduce_sum3A_206 = tpu.scan <sum>, %select_n3A_203 masked %reduce_sum3A_205 : vector<16xi32>, vector<16xi1> -> vector<16xi32>
      %reduce_sum3A_207 = vector.extract %reduce_sum3A_206[15] : i32 from vector<16xi32>
      %eq3A_208 = vector.broadcast %min3A_186 : i32 to vector<16xi32>
      %eq3A_209 = arith.cmpi eq, %iota3A, %eq3A_208 : vector<16xi32>
      %jit3A_210 = arith.constant 0 : i32
      %broadcast_in_dim3A_211 = vector.broadcast %jit3A_210 : i32 to vector<16xi32>
      %select_n3A_212 = arith.select %eq3A_209, %get3A_1, %broadcast_in_dim3A_211 : vector<16xi1>, vector<16xi32>
      %reduce_sum3A_213 = arith.constant true
      %reduce_sum3A_214 = vector.broadcast %reduce_sum3A_213 : i1 to vector<16xi1>
      %reduce_sum3A_215 = tpu.scan <sum>, %select_n3A_212 masked %reduce_sum3A_214 : vector<16xi32>, vector<16xi1> -> vector<16xi32>
      %reduce_sum3A_216 = vector.extract %reduce_sum3A_215[15] : i32 from vector<16xi32>
      %add3A_217 = arith.constant 1 : i32
      %add3A_218 = arith.addi %scan3A_87, %add3A_217 : i32
      %lt3A_219 = arith.constant 32 : i32
      %lt3A_220 = arith.cmpi slt, %add3A_218, %lt3A_219 : i32
      %lt3A_221 = arith.cmpi slt, %add3A_198, %reduce_sum3A_207 : i32
      %and3A_222 = arith.andi %lt3A_220, %lt3A_221 : i1
      %convert_element_type3A_223 = arith.extui %and3A_222 : i1 to i32
      %cond3A_224 = arith.constant 0 : i32
      %cond3A_225 = arith.cmpi ne, %convert_element_type3A_223, %cond3A_224 : i32
      scf.if %cond3A_225 {
        %gt3A_270 = arith.constant 0 : i32
        %gt3A_271 = arith.cmpi sgt, %select_n3A_100, %gt3A_270 : i32
        %convert_element_type3A_272 = arith.extui %gt3A_271 : i1 to i32
        %cond3A_273 = arith.constant 0 : i32
        %cond3A_274 = arith.cmpi ne, %convert_element_type3A_272, %cond3A_273 : i32
        scf.if %cond3A_274 {
          %dma_wait3A = arith.constant 0 : i32
          %dma_wait3A_293 = arith.constant 0 : i32
          %dma_wait3A_294 = arith.constant 0 : i32
          %dma_wait3A_295 = tpu.memref_slice %arg6[%dma_wait3A, %dma_wait3A_293, %dma_wait3A_294] : memref<2049x16x1024xf32, #tpu.memory_space<hbm>> -> memref<32x1x1024xf32, #tpu.memory_space<hbm>>
          %dma_wait3A_296 = tpu.memref_slice %arg12[%sub3A_94] : memref<2x!tpu.dma_semaphore, #tpu.memory_space<semaphore_mem>> -> memref<1x!tpu.dma_semaphore, #tpu.memory_space<semaphore_mem>>
          %dma_wait3A_297 = tpu.memref_squeeze %dma_wait3A_296 : memref<1x!tpu.dma_semaphore, #tpu.memory_space<semaphore_mem>> -> memref<!tpu.dma_semaphore, #tpu.memory_space<semaphore_mem>>
          %dma_wait3A_298 = arith.constant 0 : i32
          %dma_wait3A_299 = arith.constant 0 : i32
          %dma_wait3A_300 = arith.constant 0 : i32
          %dma_wait3A_301 = tpu.memref_slice %arg6[%dma_wait3A_298, %dma_wait3A_299, %dma_wait3A_300] : memref<2049x16x1024xf32, #tpu.memory_space<hbm>> -> memref<32x1x1024xf32, #tpu.memory_space<hbm>>
          tpu.wait_dma2 semaphore(%dma_wait3A_297 : memref<!tpu.dma_semaphore, #tpu.memory_space<semaphore_mem>>) src(%arg7 : memref<32x1x1024xf32, #tpu.memory_space<vmem>>) dst(%dma_wait3A_301 : memref<32x1x1024xf32, #tpu.memory_space<hbm>>)
        } else {
        }
        %mul3A_275 = arith.constant 32 : i32
        %mul3A_276 = arith.muli %add3A_198, %mul3A_275 : i32
        %dma_start3A = arith.constant 0 : i32
        %dma_start3A_277 = arith.constant 0 : i32
        %dma_start3A_278 = arith.constant 0 : i32
        %dma_start3A_279 = tpu.memref_slice %arg10[%sub3A_94, %dma_start3A_277, %dma_start3A, %dma_start3A_278] : memref<2x32x1x1024xf32, #tpu.memory_space<vmem>> -> memref<1x32x1x1024xf32, #tpu.memory_space<vmem>>
        %dma_start3A_280 = tpu.memref_squeeze %dma_start3A_279 : memref<1x32x1x1024xf32, #tpu.memory_space<vmem>> -> memref<32x1024xf32, #tpu.memory_space<vmem>>
        %dma_start3A_281 = arith.constant 0 : i32
        %dma_start3A_282 = tpu.memref_slice %arg2[%min3A_186, %mul3A_276, %dma_start3A_281] : memref<16x2048x1024xf32, #tpu.memory_space<hbm>> -> memref<1x32x1024xf32, #tpu.memory_space<hbm>>
        %dma_start3A_283 = tpu.memref_squeeze %dma_start3A_282 : memref<1x32x1024xf32, #tpu.memory_space<hbm>> -> memref<32x1024xf32, #tpu.memory_space<hbm>>
        %dma_start3A_284 = tpu.memref_slice %arg11[%sub3A_94] : memref<2x!tpu.dma_semaphore, #tpu.memory_space<semaphore_mem>> -> memref<1x!tpu.dma_semaphore, #tpu.memory_space<semaphore_mem>>
        %dma_start3A_285 = tpu.memref_squeeze %dma_start3A_284 : memref<1x!tpu.dma_semaphore, #tpu.memory_space<semaphore_mem>> -> memref<!tpu.dma_semaphore, #tpu.memory_space<semaphore_mem>>
        %dma_start3A_286 = arith.constant 0 : i32
        %dma_start3A_287 = arith.constant 0 : i32
        %dma_start3A_288 = tpu.memref_slice %arg10[%sub3A_94, %dma_start3A_286, %dma_start3A, %dma_start3A_287] : memref<2x32x1x1024xf32, #tpu.memory_space<vmem>> -> memref<1x32x1x1024xf32, #tpu.memory_space<vmem>>
        %dma_start3A_289 = tpu.memref_squeeze %dma_start3A_288 : memref<1x32x1x1024xf32, #tpu.memory_space<vmem>> -> memref<32x1024xf32, #tpu.memory_space<vmem>>
        %dma_start3A_290 = arith.constant 0 : i32
        %dma_start3A_291 = tpu.memref_slice %arg2[%min3A_186, %mul3A_276, %dma_start3A_290] : memref<16x2048x1024xf32, #tpu.memory_space<hbm>> -> memref<1x32x1024xf32, #tpu.memory_space<hbm>>
        %dma_start3A_292 = tpu.memref_squeeze %dma_start3A_291 : memref<1x32x1024xf32, #tpu.memory_space<hbm>> -> memref<32x1024xf32, #tpu.memory_space<hbm>>
        tpu.enqueue_dma source(%dma_start3A_292 : memref<32x1024xf32, #tpu.memory_space<hbm>>) target(%dma_start3A_289 : memref<32x1024xf32, #tpu.memory_space<vmem>>) target_semaphore(%dma_start3A_285 : memref<!tpu.dma_semaphore, #tpu.memory_space<semaphore_mem>>)
      } else {
      }
      %jit3A_226 = arith.constant 0 : i32
      %select_n3A_227 = arith.select %and3A_222, %jit3A_226, %select_n3A_100 : i32
      %convert_element_type3A_228 = arith.extui %lt3A_157 : i1 to i32
      %cond3A_229 = arith.constant 0 : i32
      %cond3A_230 = arith.cmpi ne, %convert_element_type3A_228, %cond3A_229 : i32
      scf.if %cond3A_230 {
        %mul3A_270 = arith.constant 32 : i32
        %mul3A_271 = arith.muli %add3A_138, %mul3A_270 : i32
        %dma_wait3A = arith.constant 0 : i32
        %dma_wait3A_272 = arith.constant 0 : i32
        %dma_wait3A_273 = arith.constant 0 : i32
        %dma_wait3A_274 = tpu.memref_slice %arg10[%rem3A_92, %dma_wait3A_272, %dma_wait3A, %dma_wait3A_273] : memref<2x32x1x1024xf32, #tpu.memory_space<vmem>> -> memref<1x32x1x1024xf32, #tpu.memory_space<vmem>>
        %dma_wait3A_275 = tpu.memref_squeeze %dma_wait3A_274 : memref<1x32x1x1024xf32, #tpu.memory_space<vmem>> -> memref<32x1024xf32, #tpu.memory_space<vmem>>
        %dma_wait3A_276 = arith.constant 0 : i32
        %dma_wait3A_277 = tpu.memref_slice %arg2[%min3A_126, %mul3A_271, %dma_wait3A_276] : memref<16x2048x1024xf32, #tpu.memory_space<hbm>> -> memref<1x32x1024xf32, #tpu.memory_space<hbm>>
        %dma_wait3A_278 = tpu.memref_squeeze %dma_wait3A_277 : memref<1x32x1024xf32, #tpu.memory_space<hbm>> -> memref<32x1024xf32, #tpu.memory_space<hbm>>
        %dma_wait3A_279 = tpu.memref_slice %arg11[%rem3A_92] : memref<2x!tpu.dma_semaphore, #tpu.memory_space<semaphore_mem>> -> memref<1x!tpu.dma_semaphore, #tpu.memory_space<semaphore_mem>>
        %dma_wait3A_280 = tpu.memref_squeeze %dma_wait3A_279 : memref<1x!tpu.dma_semaphore, #tpu.memory_space<semaphore_mem>> -> memref<!tpu.dma_semaphore, #tpu.memory_space<semaphore_mem>>
        %dma_wait3A_281 = arith.constant 0 : i32
        %dma_wait3A_282 = arith.constant 0 : i32
        %dma_wait3A_283 = tpu.memref_slice %arg10[%rem3A_92, %dma_wait3A_281, %dma_wait3A, %dma_wait3A_282] : memref<2x32x1x1024xf32, #tpu.memory_space<vmem>> -> memref<1x32x1x1024xf32, #tpu.memory_space<vmem>>
        %dma_wait3A_284 = tpu.memref_squeeze %dma_wait3A_283 : memref<1x32x1x1024xf32, #tpu.memory_space<vmem>> -> memref<32x1024xf32, #tpu.memory_space<vmem>>
        %dma_wait3A_285 = arith.constant 0 : i32
        %dma_wait3A_286 = tpu.memref_slice %arg2[%min3A_126, %mul3A_271, %dma_wait3A_285] : memref<16x2048x1024xf32, #tpu.memory_space<hbm>> -> memref<1x32x1024xf32, #tpu.memory_space<hbm>>
        %dma_wait3A_287 = tpu.memref_squeeze %dma_wait3A_286 : memref<1x32x1024xf32, #tpu.memory_space<hbm>> -> memref<32x1024xf32, #tpu.memory_space<hbm>>
        tpu.wait_dma2 semaphore(%dma_wait3A_280 : memref<!tpu.dma_semaphore, #tpu.memory_space<semaphore_mem>>) src(%dma_wait3A_287 : memref<32x1024xf32, #tpu.memory_space<hbm>>) dst(%dma_wait3A_284 : memref<32x1024xf32, #tpu.memory_space<vmem>>)
        %mul3A_288 = arith.constant 32 : i32
        %mul3A_289 = arith.muli %add3A_138, %mul3A_288 : i32
        %dma_start3A = arith.constant 0 : i32
        %dma_start3A_290 = arith.constant 0 : i32
        %dma_start3A_291 = arith.constant 0 : i32
        %dma_start3A_292 = tpu.memref_slice %arg10[%rem3A_92, %dma_start3A, %dma_start3A_290, %dma_start3A_291] : memref<2x32x1x1024xf32, #tpu.memory_space<vmem>> -> memref<1x32x1x1024xf32, #tpu.memory_space<vmem>>
        %dma_start3A_293 = tpu.memref_squeeze %dma_start3A_292 : memref<1x32x1x1024xf32, #tpu.memory_space<vmem>> -> memref<32x1x1024xf32, #tpu.memory_space<vmem>>
        %dma_start3A_294 = arith.constant 0 : i32
        %dma_start3A_295 = tpu.memref_slice %arg6[%mul3A_289, %min3A_126, %dma_start3A_294] : memref<2049x16x1024xf32, #tpu.memory_space<hbm>> -> memref<32x1x1024xf32, #tpu.memory_space<hbm>>
        %dma_start3A_296 = tpu.memref_slice %arg12[%rem3A_92] : memref<2x!tpu.dma_semaphore, #tpu.memory_space<semaphore_mem>> -> memref<1x!tpu.dma_semaphore, #tpu.memory_space<semaphore_mem>>
        %dma_start3A_297 = tpu.memref_squeeze %dma_start3A_296 : memref<1x!tpu.dma_semaphore, #tpu.memory_space<semaphore_mem>> -> memref<!tpu.dma_semaphore, #tpu.memory_space<semaphore_mem>>
        %dma_start3A_298 = arith.constant 0 : i32
        %dma_start3A_299 = tpu.memref_slice %arg6[%mul3A_289, %min3A_126, %dma_start3A_298] : memref<2049x16x1024xf32, #tpu.memory_space<hbm>> -> memref<32x1x1024xf32, #tpu.memory_space<hbm>>
        %dma_start3A_300 = arith.constant 0 : i32
        %dma_start3A_301 = arith.constant 0 : i32
        %dma_start3A_302 = arith.constant 0 : i32
        %dma_start3A_303 = tpu.memref_slice %arg10[%rem3A_92, %dma_start3A_300, %dma_start3A_301, %dma_start3A_302] : memref<2x32x1x1024xf32, #tpu.memory_space<vmem>> -> memref<1x32x1x1024xf32, #tpu.memory_space<vmem>>
        %dma_start3A_304 = tpu.memref_squeeze %dma_start3A_303 : memref<1x32x1x1024xf32, #tpu.memory_space<vmem>> -> memref<32x1x1024xf32, #tpu.memory_space<vmem>>
        tpu.enqueue_dma source(%dma_start3A_304 : memref<32x1x1024xf32, #tpu.memory_space<vmem>>) target(%dma_start3A_299 : memref<32x1x1024xf32, #tpu.memory_space<hbm>>) target_semaphore(%dma_start3A_297 : memref<!tpu.dma_semaphore, #tpu.memory_space<semaphore_mem>>)
      } else {
      }
      %jit3A_231 = arith.constant 1 : i32
      %select_n3A_232 = arith.select %lt3A_157, %jit3A_231, %select_n3A_97 : i32
      %ge3A = arith.constant 12 : i32
      %ge3A_233 = arith.cmpi sge, %scan3A_90, %ge3A : i32
      %and3A_234 = arith.andi %gt3A_158, %ge3A_233 : i1
      %convert_element_type3A_235 = arith.extui %and3A_234 : i1 to i32
      %cond3A_236 = arith.constant 0 : i32
      %cond3A_237 = arith.cmpi ne, %convert_element_type3A_235, %cond3A_236 : i32
      scf.if %cond3A_237 {
        %dma_wait3A = arith.constant 0 : i32
        %dma_wait3A_270 = arith.constant 0 : i32
        %dma_wait3A_271 = arith.constant 0 : i32
        %dma_wait3A_272 = tpu.memref_slice %arg6[%dma_wait3A, %dma_wait3A_270, %dma_wait3A_271] : memref<2049x16x1024xf32, #tpu.memory_space<hbm>> -> memref<32x1x1024xf32, #tpu.memory_space<hbm>>
        %dma_wait3A_273 = arith.constant 0 : i32
        %dma_wait3A_274 = arith.constant 0 : i32
        %dma_wait3A_275 = arith.constant 0 : i32
        %dma_wait3A_276 = tpu.memref_slice %arg6[%dma_wait3A_273, %dma_wait3A_274, %dma_wait3A_275] : memref<2049x16x1024xf32, #tpu.memory_space<hbm>> -> memref<32x1x1024xf32, #tpu.memory_space<hbm>>
        tpu.wait_dma2 semaphore(%arg13 : memref<!tpu.dma_semaphore, #tpu.memory_space<semaphore_mem>>) src(%arg7 : memref<32x1x1024xf32, #tpu.memory_space<vmem>>) dst(%dma_wait3A_276 : memref<32x1x1024xf32, #tpu.memory_space<hbm>>)
      } else {
      }
      %convert_element_type3A_238 = arith.extui %gt3A_158 : i1 to i32
      %cond3A_239 = arith.constant 0 : i32
      %cond3A_240 = arith.cmpi ne, %convert_element_type3A_238, %cond3A_239 : i32
      scf.if %cond3A_240 {
        %mul3A_270 = arith.constant 32 : i32
        %mul3A_271 = arith.muli %add3A_138, %mul3A_270 : i32
        %dma_start3A = arith.constant 0 : i32
        %dma_start3A_272 = tpu.memref_slice %arg6[%mul3A_271, %min3A_126, %dma_start3A] : memref<2049x16x1024xf32, #tpu.memory_space<hbm>> -> memref<32x1x1024xf32, #tpu.memory_space<hbm>>
        %dma_start3A_273 = arith.constant 0 : i32
        %dma_start3A_274 = tpu.memref_slice %arg6[%mul3A_271, %min3A_126, %dma_start3A_273] : memref<2049x16x1024xf32, #tpu.memory_space<hbm>> -> memref<32x1x1024xf32, #tpu.memory_space<hbm>>
        tpu.enqueue_dma source(%arg7 : memref<32x1x1024xf32, #tpu.memory_space<vmem>>) target(%dma_start3A_274 : memref<32x1x1024xf32, #tpu.memory_space<hbm>>) target_semaphore(%arg13 : memref<!tpu.dma_semaphore, #tpu.memory_space<semaphore_mem>>)
      } else {
      }
      %ge3A_241 = arith.constant 12 : i32
      %ge3A_242 = arith.cmpi sge, %scan3A_90, %ge3A_241 : i32
      %and3A_243 = arith.andi %gt3A_158, %ge3A_242 : i1
      %jit3A_244 = arith.constant 1 : i32
      %jit3A_245 = arith.constant 0 : i32
      %select_n3A_246 = arith.select %and3A_243, %jit3A_244, %jit3A_245 : i32
      %sub3A_247 = arith.subi %scan3A_90, %select_n3A_246 : i32
      %jit3A_248 = arith.constant 1 : i32
      %jit3A_249 = arith.constant 0 : i32
      %select_n3A_250 = arith.select %gt3A_158, %jit3A_248, %jit3A_249 : i32
      %add3A_251 = arith.addi %sub3A_247, %select_n3A_250 : i32
      %eq3A_252 = arith.cmpi eq, %add3A_138, %reduce_sum3A_147 : i32
      %gt3A_253 = arith.constant 0 : i32
      %gt3A_254 = arith.cmpi sgt, %select_n3A_232, %gt3A_253 : i32
      %and3A_255 = arith.andi %eq3A_252, %gt3A_254 : i1
      %convert_element_type3A_256 = arith.extui %and3A_255 : i1 to i32
      %cond3A_257 = arith.constant 0 : i32
      %cond3A_258 = arith.cmpi ne, %convert_element_type3A_256, %cond3A_257 : i32
      scf.if %cond3A_258 {
        %dma_wait3A = arith.constant 0 : i32
        %dma_wait3A_270 = arith.constant 0 : i32
        %dma_wait3A_271 = arith.constant 0 : i32
        %dma_wait3A_272 = tpu.memref_slice %arg6[%dma_wait3A, %dma_wait3A_270, %dma_wait3A_271] : memref<2049x16x1024xf32, #tpu.memory_space<hbm>> -> memref<32x1x1024xf32, #tpu.memory_space<hbm>>
        %dma_wait3A_273 = tpu.memref_slice %arg12[%rem3A_92] : memref<2x!tpu.dma_semaphore, #tpu.memory_space<semaphore_mem>> -> memref<1x!tpu.dma_semaphore, #tpu.memory_space<semaphore_mem>>
        %dma_wait3A_274 = tpu.memref_squeeze %dma_wait3A_273 : memref<1x!tpu.dma_semaphore, #tpu.memory_space<semaphore_mem>> -> memref<!tpu.dma_semaphore, #tpu.memory_space<semaphore_mem>>
        %dma_wait3A_275 = arith.constant 0 : i32
        %dma_wait3A_276 = arith.constant 0 : i32
        %dma_wait3A_277 = arith.constant 0 : i32
        %dma_wait3A_278 = tpu.memref_slice %arg6[%dma_wait3A_275, %dma_wait3A_276, %dma_wait3A_277] : memref<2049x16x1024xf32, #tpu.memory_space<hbm>> -> memref<32x1x1024xf32, #tpu.memory_space<hbm>>
        tpu.wait_dma2 semaphore(%dma_wait3A_274 : memref<!tpu.dma_semaphore, #tpu.memory_space<semaphore_mem>>) src(%arg7 : memref<32x1x1024xf32, #tpu.memory_space<vmem>>) dst(%dma_wait3A_278 : memref<32x1x1024xf32, #tpu.memory_space<hbm>>)
      } else {
      }
      %jit3A_259 = arith.constant 0 : i32
      %select_n3A_260 = arith.select %eq3A_252, %jit3A_259, %select_n3A_232 : i32
      %convert_element_type3A_261 = arith.extui %eq3A_252 : i1 to i32
      %cond3A_262 = arith.constant 0 : i32
      %cond3A_263 = arith.cmpi ne, %convert_element_type3A_261, %cond3A_262 : i32
      scf.if %cond3A_263 {
        %mul3A_270 = arith.constant 32 : i32
        %mul3A_271 = arith.muli %reduce_sum3A_147, %mul3A_270 : i32
        %sub3A_272 = arith.subi %reduce_sum3A_156, %mul3A_271 : i32
        %mul3A_273 = arith.constant 32 : i32
        %mul3A_274 = arith.muli %add3A_138, %mul3A_273 : i32
        %run_scoped3A = arith.constant 0 : i32
        "tpu.region"() ({
          %run_scoped3A_287 = tpu.sem_alloc : memref<!tpu.dma_semaphore, #tpu.memory_space<semaphore_mem>>
          %dma_start3A = arith.constant 0 : i32
          %dma_start3A_288 = arith.constant 0 : i32
          %dma_start3A_289 = tpu.memref_slice %arg10[%rem3A_92, %dma_start3A, %run_scoped3A, %dma_start3A_288] : memref<2x32x1x1024xf32, #tpu.memory_space<vmem>> -> memref<1x32x1x1024xf32, #tpu.memory_space<vmem>>
          %dma_start3A_290 = tpu.memref_squeeze %dma_start3A_289 : memref<1x32x1x1024xf32, #tpu.memory_space<vmem>> -> memref<32x1024xf32, #tpu.memory_space<vmem>>
          %dma_start3A_291 = arith.constant 0 : i32
          %dma_start3A_292 = tpu.memref_slice %arg2[%min3A_126, %mul3A_274, %dma_start3A_291] : memref<16x2048x1024xf32, #tpu.memory_space<hbm>> -> memref<1x32x1024xf32, #tpu.memory_space<hbm>>
          %dma_start3A_293 = tpu.memref_squeeze %dma_start3A_292 : memref<1x32x1024xf32, #tpu.memory_space<hbm>> -> memref<32x1024xf32, #tpu.memory_space<hbm>>
          %dma_start3A_294 = arith.constant 0 : i32
          %dma_start3A_295 = arith.constant 0 : i32
          %dma_start3A_296 = tpu.memref_slice %arg10[%rem3A_92, %dma_start3A_294, %run_scoped3A, %dma_start3A_295] : memref<2x32x1x1024xf32, #tpu.memory_space<vmem>> -> memref<1x32x1x1024xf32, #tpu.memory_space<vmem>>
          %dma_start3A_297 = tpu.memref_squeeze %dma_start3A_296 : memref<1x32x1x1024xf32, #tpu.memory_space<vmem>> -> memref<32x1024xf32, #tpu.memory_space<vmem>>
          %dma_start3A_298 = arith.constant 0 : i32
          %dma_start3A_299 = tpu.memref_slice %arg2[%min3A_126, %mul3A_274, %dma_start3A_298] : memref<16x2048x1024xf32, #tpu.memory_space<hbm>> -> memref<1x32x1024xf32, #tpu.memory_space<hbm>>
          %dma_start3A_300 = tpu.memref_squeeze %dma_start3A_299 : memref<1x32x1024xf32, #tpu.memory_space<hbm>> -> memref<32x1024xf32, #tpu.memory_space<hbm>>
          tpu.enqueue_dma source(%dma_start3A_300 : memref<32x1024xf32, #tpu.memory_space<hbm>>) target(%dma_start3A_297 : memref<32x1024xf32, #tpu.memory_space<vmem>>) target_semaphore(%run_scoped3A_287 : memref<!tpu.dma_semaphore, #tpu.memory_space<semaphore_mem>>)
          %dma_wait3A = arith.constant 0 : i32
          %dma_wait3A_301 = arith.constant 0 : i32
          %dma_wait3A_302 = tpu.memref_slice %arg10[%rem3A_92, %dma_wait3A, %run_scoped3A, %dma_wait3A_301] : memref<2x32x1x1024xf32, #tpu.memory_space<vmem>> -> memref<1x32x1x1024xf32, #tpu.memory_space<vmem>>
          %dma_wait3A_303 = tpu.memref_squeeze %dma_wait3A_302 : memref<1x32x1x1024xf32, #tpu.memory_space<vmem>> -> memref<32x1024xf32, #tpu.memory_space<vmem>>
          %dma_wait3A_304 = arith.constant 0 : i32
          %dma_wait3A_305 = tpu.memref_slice %arg2[%min3A_126, %mul3A_274, %dma_wait3A_304] : memref<16x2048x1024xf32, #tpu.memory_space<hbm>> -> memref<1x32x1024xf32, #tpu.memory_space<hbm>>
          %dma_wait3A_306 = tpu.memref_squeeze %dma_wait3A_305 : memref<1x32x1024xf32, #tpu.memory_space<hbm>> -> memref<32x1024xf32, #tpu.memory_space<hbm>>
          %dma_wait3A_307 = arith.constant 0 : i32
          %dma_wait3A_308 = arith.constant 0 : i32
          %dma_wait3A_309 = tpu.memref_slice %arg10[%rem3A_92, %dma_wait3A_307, %run_scoped3A, %dma_wait3A_308] : memref<2x32x1x1024xf32, #tpu.memory_space<vmem>> -> memref<1x32x1x1024xf32, #tpu.memory_space<vmem>>
          %dma_wait3A_310 = tpu.memref_squeeze %dma_wait3A_309 : memref<1x32x1x1024xf32, #tpu.memory_space<vmem>> -> memref<32x1024xf32, #tpu.memory_space<vmem>>
          %dma_wait3A_311 = arith.constant 0 : i32
          %dma_wait3A_312 = tpu.memref_slice %arg2[%min3A_126, %mul3A_274, %dma_wait3A_311] : memref<16x2048x1024xf32, #tpu.memory_space<hbm>> -> memref<1x32x1024xf32, #tpu.memory_space<hbm>>
          %dma_wait3A_313 = tpu.memref_squeeze %dma_wait3A_312 : memref<1x32x1024xf32, #tpu.memory_space<hbm>> -> memref<32x1024xf32, #tpu.memory_space<hbm>>
          tpu.wait_dma2 semaphore(%run_scoped3A_287 : memref<!tpu.dma_semaphore, #tpu.memory_space<semaphore_mem>>) src(%dma_wait3A_313 : memref<32x1024xf32, #tpu.memory_space<hbm>>) dst(%dma_wait3A_310 : memref<32x1024xf32, #tpu.memory_space<vmem>>)
          tpu.yield
        }) : () -> ()
        %while3A_275 = arith.constant 0 : i32
        %while3A_276 = arith.constant 32 : i32
        %while3A_277 = arith.subi %while3A_276, %sub3A_272 : i32
        %while3A_278 = arith.addi %sub3A_272, %while3A_277 : i32
        %while3A_279 = arith.constant 1 : i32
        %while3A_280 = arith.divsi %while3A_277, %while3A_279 : i32
        %while3A_281 = arith.muli %while3A_280, %while3A_279 : i32
        %while3A_282 = arith.addi %sub3A_272, %while3A_281 : i32
        %while3A_283 = arith.constant 1 : i32
        scf.for %while3A_287 = %sub3A_272 to %while3A_282 step %while3A_283  : i32 {
          %scan3A_288 = arith.constant 0 : i32
          %scan3A_289 = arith.constant 64 : i32
          %scan3A_290 = arith.addi %scan3A_288, %scan3A_289 : i32
          %scan3A_291 = arith.constant 1 : i32
          scf.for %scan3A_293 = %scan3A_288 to %scan3A_290 step %scan3A_291  : i32 {
            %mul3A_294 = arith.constant 16 : i32
            %mul3A_295 = arith.muli %scan3A_293, %mul3A_294 : i32
            %get3A_296 = arith.index_cast %mul3A_295 : i32 to index
            %get3A_297 = tpu.vector_load %arg8[%get3A_296] {strides = array<i32>} : memref<1024xf32, #tpu.memory_space<vmem>>, vector<16xf32>,
            %eq3A_298 = arith.cmpi eq, %while3A_287, %sub3A_272 : i32
            %broadcast_in_dim3A_299 = arith.constant 0.000000e+00 : f32
            %broadcast_in_dim3A_300 = vector.broadcast %broadcast_in_dim3A_299 : f32 to vector<16xf32>
            %select_n3A_301 = arith.select %eq3A_298, %get3A_297, %broadcast_in_dim3A_300 : vector<16xf32>
            %mul3A_302 = arith.constant 16 : i32
            %mul3A_303 = arith.muli %scan3A_293, %mul3A_302 : i32
            %swap3A = arith.constant 0 : i32
            %swap3A_304 = arith.index_cast %rem3A_92 : i32 to index
            %swap3A_305 = arith.index_cast %while3A_287 : i32 to index
            %swap3A_306 = arith.index_cast %swap3A : i32 to index
            %swap3A_307 = arith.index_cast %mul3A_303 : i32 to index
            %swap3A_308 = tpu.vector_load %arg10[%swap3A_304, %swap3A_305, %swap3A_306, %swap3A_307] {strides = array<i32>} : memref<2x32x1x1024xf32, #tpu.memory_space<vmem>>, vector<16xf32>,
            tpu.vector_store %arg10[%swap3A_304, %swap3A_305, %swap3A_306, %swap3A_307], %select_n3A_301 {strides = array<i32>} : memref<2x32x1x1024xf32, #tpu.memory_space<vmem>>, vector<16xf32>,
          }
          %scan3A_292 = arith.constant 64 : i32
        }
        %while3A_284 = arith.constant 1 : i32
        scf.for %while3A_287 = %while3A_282 to %while3A_278 step %while3A_284  : i32 {
          %scan3A_288 = arith.constant 0 : i32
          %scan3A_289 = arith.constant 64 : i32
          %scan3A_290 = arith.addi %scan3A_288, %scan3A_289 : i32
          %scan3A_291 = arith.constant 1 : i32
          scf.for %scan3A_293 = %scan3A_288 to %scan3A_290 step %scan3A_291  : i32 {
            %mul3A_294 = arith.constant 16 : i32
            %mul3A_295 = arith.muli %scan3A_293, %mul3A_294 : i32
            %get3A_296 = arith.index_cast %mul3A_295 : i32 to index
            %get3A_297 = tpu.vector_load %arg8[%get3A_296] {strides = array<i32>} : memref<1024xf32, #tpu.memory_space<vmem>>, vector<16xf32>,
            %eq3A_298 = arith.cmpi eq, %while3A_287, %sub3A_272 : i32
            %broadcast_in_dim3A_299 = arith.constant 0.000000e+00 : f32
            %broadcast_in_dim3A_300 = vector.broadcast %broadcast_in_dim3A_299 : f32 to vector<16xf32>
            %select_n3A_301 = arith.select %eq3A_298, %get3A_297, %broadcast_in_dim3A_300 : vector<16xf32>
            %mul3A_302 = arith.constant 16 : i32
            %mul3A_303 = arith.muli %scan3A_293, %mul3A_302 : i32
            %swap3A = arith.constant 0 : i32
            %swap3A_304 = arith.index_cast %rem3A_92 : i32 to index
            %swap3A_305 = arith.index_cast %while3A_287 : i32 to index
            %swap3A_306 = arith.index_cast %swap3A : i32 to index
            %swap3A_307 = arith.index_cast %mul3A_303 : i32 to index
            %swap3A_308 = tpu.vector_load %arg10[%swap3A_304, %swap3A_305, %swap3A_306, %swap3A_307] {strides = array<i32>} : memref<2x32x1x1024xf32, #tpu.memory_space<vmem>>, vector<16xf32>,
            tpu.vector_store %arg10[%swap3A_304, %swap3A_305, %swap3A_306, %swap3A_307], %select_n3A_301 {strides = array<i32>} : memref<2x32x1x1024xf32, #tpu.memory_space<vmem>>, vector<16xf32>,
          }
          %scan3A_292 = arith.constant 64 : i32
        }
        %mul3A_285 = arith.constant 32 : i32
        %mul3A_286 = arith.muli %add3A_138, %mul3A_285 : i32
        "tpu.region"() ({
          %run_scoped3A_287 = tpu.sem_alloc : memref<!tpu.dma_semaphore, #tpu.memory_space<semaphore_mem>>
          %dma_start3A = arith.constant 0 : i32
          %dma_start3A_288 = arith.constant 0 : i32
          %dma_start3A_289 = arith.constant 0 : i32
          %dma_start3A_290 = tpu.memref_slice %arg10[%rem3A_92, %dma_start3A, %dma_start3A_288, %dma_start3A_289] : memref<2x32x1x1024xf32, #tpu.memory_space<vmem>> -> memref<1x32x1x1024xf32, #tpu.memory_space<vmem>>
          %dma_start3A_291 = tpu.memref_squeeze %dma_start3A_290 : memref<1x32x1x1024xf32, #tpu.memory_space<vmem>> -> memref<32x1x1024xf32, #tpu.memory_space<vmem>>
          %dma_start3A_292 = arith.constant 0 : i32
          %dma_start3A_293 = tpu.memref_slice %arg6[%mul3A_286, %min3A_126, %dma_start3A_292] : memref<2049x16x1024xf32, #tpu.memory_space<hbm>> -> memref<32x1x1024xf32, #tpu.memory_space<hbm>>
          %dma_start3A_294 = arith.constant 0 : i32
          %dma_start3A_295 = tpu.memref_slice %arg6[%mul3A_286, %min3A_126, %dma_start3A_294] : memref<2049x16x1024xf32, #tpu.memory_space<hbm>> -> memref<32x1x1024xf32, #tpu.memory_space<hbm>>
          %dma_start3A_296 = arith.constant 0 : i32
          %dma_start3A_297 = arith.constant 0 : i32
          %dma_start3A_298 = arith.constant 0 : i32
          %dma_start3A_299 = tpu.memref_slice %arg10[%rem3A_92, %dma_start3A_296, %dma_start3A_297, %dma_start3A_298] : memref<2x32x1x1024xf32, #tpu.memory_space<vmem>> -> memref<1x32x1x1024xf32, #tpu.memory_space<vmem>>
          %dma_start3A_300 = tpu.memref_squeeze %dma_start3A_299 : memref<1x32x1x1024xf32, #tpu.memory_space<vmem>> -> memref<32x1x1024xf32, #tpu.memory_space<vmem>>
          tpu.enqueue_dma source(%dma_start3A_300 : memref<32x1x1024xf32, #tpu.memory_space<vmem>>) target(%dma_start3A_295 : memref<32x1x1024xf32, #tpu.memory_space<hbm>>) target_semaphore(%run_scoped3A_287 : memref<!tpu.dma_semaphore, #tpu.memory_space<semaphore_mem>>)
          %dma_wait3A = arith.constant 0 : i32
          %dma_wait3A_301 = arith.constant 0 : i32
          %dma_wait3A_302 = arith.constant 0 : i32
          %dma_wait3A_303 = tpu.memref_slice %arg10[%rem3A_92, %dma_wait3A, %dma_wait3A_301, %dma_wait3A_302] : memref<2x32x1x1024xf32, #tpu.memory_space<vmem>> -> memref<1x32x1x1024xf32, #tpu.memory_space<vmem>>
          %dma_wait3A_304 = tpu.memref_squeeze %dma_wait3A_303 : memref<1x32x1x1024xf32, #tpu.memory_space<vmem>> -> memref<32x1x1024xf32, #tpu.memory_space<vmem>>
          %dma_wait3A_305 = arith.constant 0 : i32
          %dma_wait3A_306 = tpu.memref_slice %arg6[%mul3A_286, %min3A_126, %dma_wait3A_305] : memref<2049x16x1024xf32, #tpu.memory_space<hbm>> -> memref<32x1x1024xf32, #tpu.memory_space<hbm>>
          %dma_wait3A_307 = arith.constant 0 : i32
          %dma_wait3A_308 = tpu.memref_slice %arg6[%mul3A_286, %min3A_126, %dma_wait3A_307] : memref<2049x16x1024xf32, #tpu.memory_space<hbm>> -> memref<32x1x1024xf32, #tpu.memory_space<hbm>>
          %dma_wait3A_309 = arith.constant 0 : i32
          %dma_wait3A_310 = arith.constant 0 : i32
          %dma_wait3A_311 = arith.constant 0 : i32
          %dma_wait3A_312 = tpu.memref_slice %arg10[%rem3A_92, %dma_wait3A_309, %dma_wait3A_310, %dma_wait3A_311] : memref<2x32x1x1024xf32, #tpu.memory_space<vmem>> -> memref<1x32x1x1024xf32, #tpu.memory_space<vmem>>
          %dma_wait3A_313 = tpu.memref_squeeze %dma_wait3A_312 : memref<1x32x1x1024xf32, #tpu.memory_space<vmem>> -> memref<32x1x1024xf32, #tpu.memory_space<vmem>>
          tpu.wait_dma2 semaphore(%run_scoped3A_287 : memref<!tpu.dma_semaphore, #tpu.memory_space<semaphore_mem>>) src(%dma_wait3A_313 : memref<32x1x1024xf32, #tpu.memory_space<vmem>>) dst(%dma_wait3A_308 : memref<32x1x1024xf32, #tpu.memory_space<hbm>>)
          tpu.yield
        }) : () -> ()
      } else {
      }
      %eq3A_264 = arith.constant 0 : i32
      %eq3A_265 = arith.cmpi eq, %rem3A_92, %eq3A_264 : i32
      %select_n3A_266 = arith.select %eq3A_265, %select_n3A_260, %select_n3A_227 : i32
      %eq3A_267 = arith.constant 0 : i32
      %eq3A_268 = arith.cmpi eq, %rem3A_92, %eq3A_267 : i32
      %select_n3A_269 = arith.select %eq3A_268, %select_n3A_227, %select_n3A_260 : i32
      scf.yield %select_n3A_266, %select_n3A_269, %add3A_251 : i32, i32, i32
    }
    %scan3A_63 = arith.constant 32 : i32
    %gt3A = arith.constant 0 : i32
    %gt3A_64 = arith.cmpi sgt, %scan3A_62#0, %gt3A : i32
    %convert_element_type3A_65 = arith.extui %gt3A_64 : i1 to i32
    %cond3A_66 = arith.constant 0 : i32
    %cond3A_67 = arith.cmpi ne, %convert_element_type3A_65, %cond3A_66 : i32
    scf.if %cond3A_67 {
      %dma_wait3A = arith.constant 0 : i32
      %dma_wait3A_87 = arith.constant 0 : i32
      %dma_wait3A_88 = arith.constant 0 : i32
      %dma_wait3A_89 = arith.constant 0 : i32
      %dma_wait3A_90 = tpu.memref_slice %arg6[%dma_wait3A_87, %dma_wait3A_88, %dma_wait3A_89] : memref<2049x16x1024xf32, #tpu.memory_space<hbm>> -> memref<32x1x1024xf32, #tpu.memory_space<hbm>>
      %dma_wait3A_91 = tpu.memref_slice %arg12[%dma_wait3A] : memref<2x!tpu.dma_semaphore, #tpu.memory_space<semaphore_mem>> -> memref<1x!tpu.dma_semaphore, #tpu.memory_space<semaphore_mem>>
      %dma_wait3A_92 = tpu.memref_squeeze %dma_wait3A_91 : memref<1x!tpu.dma_semaphore, #tpu.memory_space<semaphore_mem>> -> memref<!tpu.dma_semaphore, #tpu.memory_space<semaphore_mem>>
      %dma_wait3A_93 = arith.constant 0 : i32
      %dma_wait3A_94 = arith.constant 0 : i32
      %dma_wait3A_95 = arith.constant 0 : i32
      %dma_wait3A_96 = tpu.memref_slice %arg6[%dma_wait3A_93, %dma_wait3A_94, %dma_wait3A_95] : memref<2049x16x1024xf32, #tpu.memory_space<hbm>> -> memref<32x1x1024xf32, #tpu.memory_space<hbm>>
      tpu.wait_dma2 semaphore(%dma_wait3A_92 : memref<!tpu.dma_semaphore, #tpu.memory_space<semaphore_mem>>) src(%arg7 : memref<32x1x1024xf32, #tpu.memory_space<vmem>>) dst(%dma_wait3A_96 : memref<32x1x1024xf32, #tpu.memory_space<hbm>>)
    } else {
    }
    %gt3A_68 = arith.constant 0 : i32
    %gt3A_69 = arith.cmpi sgt, %scan3A_62#1, %gt3A_68 : i32
    %convert_element_type3A_70 = arith.extui %gt3A_69 : i1 to i32
    %cond3A_71 = arith.constant 0 : i32
    %cond3A_72 = arith.cmpi ne, %convert_element_type3A_70, %cond3A_71 : i32
    scf.if %cond3A_72 {
      %dma_wait3A = arith.constant 1 : i32
      %dma_wait3A_87 = arith.constant 0 : i32
      %dma_wait3A_88 = arith.constant 0 : i32
      %dma_wait3A_89 = arith.constant 0 : i32
      %dma_wait3A_90 = tpu.memref_slice %arg6[%dma_wait3A_87, %dma_wait3A_88, %dma_wait3A_89] : memref<2049x16x1024xf32, #tpu.memory_space<hbm>> -> memref<32x1x1024xf32, #tpu.memory_space<hbm>>
      %dma_wait3A_91 = tpu.memref_slice %arg12[%dma_wait3A] : memref<2x!tpu.dma_semaphore, #tpu.memory_space<semaphore_mem>> -> memref<1x!tpu.dma_semaphore, #tpu.memory_space<semaphore_mem>>
      %dma_wait3A_92 = tpu.memref_squeeze %dma_wait3A_91 : memref<1x!tpu.dma_semaphore, #tpu.memory_space<semaphore_mem>> -> memref<!tpu.dma_semaphore, #tpu.memory_space<semaphore_mem>>
      %dma_wait3A_93 = arith.constant 0 : i32
      %dma_wait3A_94 = arith.constant 0 : i32
      %dma_wait3A_95 = arith.constant 0 : i32
      %dma_wait3A_96 = tpu.memref_slice %arg6[%dma_wait3A_93, %dma_wait3A_94, %dma_wait3A_95] : memref<2049x16x1024xf32, #tpu.memory_space<hbm>> -> memref<32x1x1024xf32, #tpu.memory_space<hbm>>
      tpu.wait_dma2 semaphore(%dma_wait3A_92 : memref<!tpu.dma_semaphore, #tpu.memory_space<semaphore_mem>>) src(%arg7 : memref<32x1x1024xf32, #tpu.memory_space<vmem>>) dst(%dma_wait3A_96 : memref<32x1x1024xf32, #tpu.memory_space<hbm>>)
    } else {
    }
    %while3A = arith.constant 0 : i32
    %while3A_73 = arith.constant 0 : i32
    %while3A_74 = arith.subi %scan3A_62#2, %while3A_73 : i32
    %while3A_75 = arith.addi %while3A_73, %while3A_74 : i32
    %while3A_76 = arith.constant 1 : i32
    %while3A_77 = arith.divsi %while3A_74, %while3A_76 : i32
    %while3A_78 = arith.muli %while3A_77, %while3A_76 : i32
    %while3A_79 = arith.addi %while3A_73, %while3A_78 : i32
    %while3A_80 = arith.constant 1 : i32
    scf.for %while3A_87 = %while3A_73 to %while3A_79 step %while3A_80  : i32 {
      %dma_wait3A = arith.constant 0 : i32
      %dma_wait3A_88 = arith.constant 0 : i32
      %dma_wait3A_89 = arith.constant 0 : i32
      %dma_wait3A_90 = tpu.memref_slice %arg6[%dma_wait3A, %dma_wait3A_88, %dma_wait3A_89] : memref<2049x16x1024xf32, #tpu.memory_space<hbm>> -> memref<32x1x1024xf32, #tpu.memory_space<hbm>>
      %dma_wait3A_91 = arith.constant 0 : i32
      %dma_wait3A_92 = arith.constant 0 : i32
      %dma_wait3A_93 = arith.constant 0 : i32
      %dma_wait3A_94 = tpu.memref_slice %arg6[%dma_wait3A_91, %dma_wait3A_92, %dma_wait3A_93] : memref<2049x16x1024xf32, #tpu.memory_space<hbm>> -> memref<32x1x1024xf32, #tpu.memory_space<hbm>>
      tpu.wait_dma2 semaphore(%arg13 : memref<!tpu.dma_semaphore, #tpu.memory_space<semaphore_mem>>) src(%arg7 : memref<32x1x1024xf32, #tpu.memory_space<vmem>>) dst(%dma_wait3A_94 : memref<32x1x1024xf32, #tpu.memory_space<hbm>>)
    }
    %while3A_81 = arith.constant 1 : i32
    scf.for %while3A_87 = %while3A_79 to %while3A_75 step %while3A_81  : i32 {
      %dma_wait3A = arith.constant 0 : i32
      %dma_wait3A_88 = arith.constant 0 : i32
      %dma_wait3A_89 = arith.constant 0 : i32
      %dma_wait3A_90 = tpu.memref_slice %arg6[%dma_wait3A, %dma_wait3A_88, %dma_wait3A_89] : memref<2049x16x1024xf32, #tpu.memory_space<hbm>> -> memref<32x1x1024xf32, #tpu.memory_space<hbm>>
      %dma_wait3A_91 = arith.constant 0 : i32
      %dma_wait3A_92 = arith.constant 0 : i32
      %dma_wait3A_93 = arith.constant 0 : i32
      %dma_wait3A_94 = tpu.memref_slice %arg6[%dma_wait3A_91, %dma_wait3A_92, %dma_wait3A_93] : memref<2049x16x1024xf32, #tpu.memory_space<hbm>> -> memref<32x1x1024xf32, #tpu.memory_space<hbm>>
      tpu.wait_dma2 semaphore(%arg13 : memref<!tpu.dma_semaphore, #tpu.memory_space<semaphore_mem>>) src(%arg7 : memref<32x1x1024xf32, #tpu.memory_space<vmem>>) dst(%dma_wait3A_94 : memref<32x1x1024xf32, #tpu.memory_space<hbm>>)
    }
    %lt3A_82 = arith.constant 16 : i32
    %lt3A_83 = arith.cmpi slt, %add3A, %lt3A_82 : i32
    %convert_element_type3A_84 = arith.extui %lt3A_83 : i1 to i32
    %cond3A_85 = arith.constant 0 : i32
    %cond3A_86 = arith.cmpi ne, %convert_element_type3A_84, %cond3A_85 : i32
    scf.if %cond3A_86 {
      "tpu.region"() ({
        %run_scoped3A = tpu.sem_alloc : memref<!tpu.dma_semaphore, #tpu.memory_space<semaphore_mem>>
        %dma_start3A = arith.constant 0 : i32
        %dma_start3A_87 = arith.constant 0 : i32
        %dma_start3A_88 = arith.constant 0 : i32
        %dma_start3A_89 = tpu.memref_slice %arg7[%dma_start3A, %dma_start3A_87, %dma_start3A_88] : memref<32x1x1024xf32, #tpu.memory_space<vmem>> -> memref<1x1x1024xf32, #tpu.memory_space<vmem>>
        %dma_start3A_90 = arith.constant 2048 : i32
        %dma_start3A_91 = arith.constant 0 : i32
        %dma_start3A_92 = tpu.memref_slice %arg6[%dma_start3A_90, %add3A, %dma_start3A_91] : memref<2049x16x1024xf32, #tpu.memory_space<hbm>> -> memref<1x1x1024xf32, #tpu.memory_space<hbm>>
        %dma_start3A_93 = arith.constant 2048 : i32
        %dma_start3A_94 = arith.constant 0 : i32
        %dma_start3A_95 = tpu.memref_slice %arg6[%dma_start3A_93, %add3A, %dma_start3A_94] : memref<2049x16x1024xf32, #tpu.memory_space<hbm>> -> memref<1x1x1024xf32, #tpu.memory_space<hbm>>
        %dma_start3A_96 = arith.constant 0 : i32
        %dma_start3A_97 = arith.constant 0 : i32
        %dma_start3A_98 = arith.constant 0 : i32
        %dma_start3A_99 = tpu.memref_slice %arg7[%dma_start3A_96, %dma_start3A_97, %dma_start3A_98] : memref<32x1x1024xf32, #tpu.memory_space<vmem>> -> memref<1x1x1024xf32, #tpu.memory_space<vmem>>
        tpu.enqueue_dma source(%dma_start3A_99 : memref<1x1x1024xf32, #tpu.memory_space<vmem>>) target(%dma_start3A_95 : memref<1x1x1024xf32, #tpu.memory_space<hbm>>) target_semaphore(%run_scoped3A : memref<!tpu.dma_semaphore, #tpu.memory_space<semaphore_mem>>)
        %dma_wait3A = arith.constant 0 : i32
        %dma_wait3A_100 = arith.constant 0 : i32
        %dma_wait3A_101 = arith.constant 0 : i32
        %dma_wait3A_102 = tpu.memref_slice %arg7[%dma_wait3A, %dma_wait3A_100, %dma_wait3A_101] : memref<32x1x1024xf32, #tpu.memory_space<vmem>> -> memref<1x1x1024xf32, #tpu.memory_space<vmem>>
        %dma_wait3A_103 = arith.constant 2048 : i32
        %dma_wait3A_104 = arith.constant 0 : i32
        %dma_wait3A_105 = tpu.memref_slice %arg6[%dma_wait3A_103, %add3A, %dma_wait3A_104] : memref<2049x16x1024xf32, #tpu.memory_space<hbm>> -> memref<1x1x1024xf32, #tpu.memory_space<hbm>>
        %dma_wait3A_106 = arith.constant 2048 : i32
        %dma_wait3A_107 = arith.constant 0 : i32
        %dma_wait3A_108 = tpu.memref_slice %arg6[%dma_wait3A_106, %add3A, %dma_wait3A_107] : memref<2049x16x1024xf32, #tpu.memory_space<hbm>> -> memref<1x1x1024xf32, #tpu.memory_space<hbm>>
        %dma_wait3A_109 = arith.constant 0 : i32
        %dma_wait3A_110 = arith.constant 0 : i32
        %dma_wait3A_111 = arith.constant 0 : i32
        %dma_wait3A_112 = tpu.memref_slice %arg7[%dma_wait3A_109, %dma_wait3A_110, %dma_wait3A_111] : memref<32x1x1024xf32, #tpu.memory_space<vmem>> -> memref<1x1x1024xf32, #tpu.memory_space<vmem>>
        tpu.wait_dma2 semaphore(%run_scoped3A : memref<!tpu.dma_semaphore, #tpu.memory_space<semaphore_mem>>) src(%dma_wait3A_112 : memref<1x1x1024xf32, #tpu.memory_space<vmem>>) dst(%dma_wait3A_108 : memref<1x1x1024xf32, #tpu.memory_space<hbm>>)
        tpu.yield
      }) : () -> ()
    } else {
    }
    return
  }
}

</mosaic_0001>

<sc_bundles>
// kernel: kernel.3.cloned.1.call-start
scs
__scs_entry_jumppad:
0x0: {  	(pc) =	sbr.rel $0x88, $3  }
0x1: {  	(tag) =	ssettag $0x0;
	lr =	simm.s32 $0x1  }
0x2: {  	[smem:$0x3F9E] =	sst lr;
	_ =	strace $0xD0000000  }
0x3: {  	_ = 	snop  }
0x4: {  	_ = 	snop  }
0x5: {  	_ = 	snop  }
0x6: {  	_ = 	snop  }
0x7: {  	_ = 	snop  }
__scs_overlays_trampoline_lowered:
0x8: {  	[smem:$0x3FAD] =	sst s0  }
0x9: {  	[smem:$0x3FAE] =	sst s1  }
0xa: {  	[smem:$0x3FAF] =	sst s2  }
0xb: {  	[smem:$0x3FB0] =	sst s3  }
0xc: {  	[smem:$0x3FB1] =	sst s4  }
0xd: {  	[smem:$0x3FB2] =	sst s5  }
0xe: {  	[smem:$0x3FB3] =	sst s6  }
0xf: {  	[smem:$0x3FB4] =	sst s7  }
0x10: {  	[smem:$0x3FB5] =	sst s8  }
0x11: {  	[smem:$0x3FB6] =	sst s9;
	s0 =	simm.s32 @!p0 $0x0  }
0x12: {  	s1 =	sld [smem:$0x3F9C];
	s0 =	simm.s32 @p0 $0x1  }
0x13: {  	[smem:$0x3FB7] =	sst s0;
	s0 =	simm.s32 @!p1 $0x0  }
0x14: {  	s2 =	sld [smem:$0x3F9B];
	s0 =	simm.s32 @p1 $0x1  }
0x15: {  	[smem:$0x3FB8] =	sst s0;
	s0 =	simm.s32 @!p2 $0x0  }
0x16: {  	s3 =	sld [smem:$0x3FDB];
	s0 =	simm.s32 @p2 $0x1  }
0x17: {  	s4 =	simm.s32 $0x1BF5;
	[smem:$0x3FBA] =	sst s0  }
0x18: {  	s0 =	sld [smem:$0x3F9D];
	_ =	swait.ge [sflag:s4], $0x0  }
0x19: {  	s7 =	sld [smem:$0x3F9E]  }
0x1a: {  	s8 =	sadd.s32 $0xFFFFE003, lr  }
0x1b: {  	s9 =	sadd.s32 $0xFFFFFEF7, lr;
	s5 =	simm.s32 $0xFFFFFFFF;
	p2 =	slt.u32 s8, $0xFFFFF086  }
0x1c: {  	p1 =	slt.u32 s9, $0xF7A;
	s5 =	simm.s32 @!p2 $0x0  }
0x1d: {  	s5 =	simm.s32 @p1 $0x1;
	p0 =	seq.s32 s7, s2  }
0x1e: {  	s7 =	smul.u32 @!p0 $0xF7A, s2;
	p2 =	seq.s32 @!p0 s5, $0x0  }
0x1f: {  	s9 =	smul.u32 $0xF7A, s1;
	s8 =	simm.s32 @!p0 $0x1BF5;
	p2 =	por !p2, p0  }
0x20: {  	[sflag:s8] =	ssyncset.s32 @!p0 $0xFFFFF086;
	s6 =	sadd.s32 @!p0 s3, s7;
	s7 =	simm.s32 @!p0 $0x108  }
0x21: {  	s3 =	sadd.s32 s3, s9;
	s6 =	sadd.s32 @!p0 $0x88, s6;
	s7 =	simm.s32 @p2 $0x1082  }
0x22: {  	[simem:s7], [sflag:s8] =	dma.local @!p0 [hbm:s6], $0xF7A  }
0x23: {  	s9 =	sor.u32 $0xD0000000, s2;
	s6 =	simm.s32 $0x108;
	_ =	swait.ge @!p0 [sflag:s8], $0x0  }
0x24: {  	s3 =	sadd.s32 $0x88, s3;
	s6 =	simm.s32 @!p1 $0x1082;
	[sflag:s4] =	ssyncset.s32 $0xFFFFF086  }
0x25: {  	[simem:s6], [sflag:s4] =	dma.local [hbm:s3], $0xF7A  }
0x26: {  	[smem:$0x3F9E] =	sst s1;
	(tag) =	ssettag s2;
	_ =	strace s9  }
0x27: {  	s1 =	sld [smem:$0x3FAE]  }
0x28: {  	s2 =	sld [smem:$0x3FAF]  }
0x29: {  	s4 =	sld [smem:$0x3FB1]  }
0x2a: {  	p0 =	seq.s32 s5, $0x0;
	s5 =	sld [smem:$0x3FB2]  }
0x2b: {  	s6 =	sld [smem:$0x3FB3]  }
0x2c: {  	s7 =	sld [smem:$0x3FB4]  }
0x2d: {  	s3 =	simm.s32 $0x108;
	s8 =	sld [smem:$0x3FB5]  }
0x2e: {  	s3 =	simm.s32 @!p0 $0x1082;
	s9 =	sld [smem:$0x3FB6]  }
0x2f: {  	lr =	sadd.s32 s0, s3;
	s0 =	sld [smem:$0x3FAD]  }
0x30: {  	s3 =	sld [smem:$0x3FB0]  }
0x31: {  	[smem:$0x3FB9] =	sst s10  }
0x32: {  	s10 =	sld [smem:$0x3FB7];
	_ =	sdelay $0x3  }
0x33: {  	p0 =	seq.s32 s10, $0x1;
	s10 =	sld [smem:$0x3FB9];
	_ =	sdelay $0x3  }
0x34: {  	[smem:$0x3FB9] =	sst s10  }
0x35: {  	s10 =	sld [smem:$0x3FB8];
	_ =	sdelay $0x3  }
0x36: {  	p1 =	seq.s32 s10, $0x1;
	s10 =	sld [smem:$0x3FB9];
	_ =	sdelay $0x3  }
0x37: {  	[smem:$0x3FB9] =	sst s10  }
0x38: {  	s10 =	sld [smem:$0x3FBA]  }
0x39: {  	_ = 	snop;
	(pc) =	sbr.ind lr, $3  }
0x3a: {  	_ = 	snop  }
0x3b: {  	_ = 	snop  }
0x3c: {  	p2 =	seq.s32 s10, $0x1;
	s10 =	sld [smem:$0x3FB9]  }
0x3d: {  	_ =	shalt  }
0x3e: {  	_ =	shalt  }
0x3f: {  	_ =	shalt  }
0x40: {  	_ =	shalt  }
0x41: {  	_ =	shalt  }
0x42: {  	_ =	shalt  }
0x43: {  	_ =	shalt  }
0x44: {  	_ =	shalt  }
0x45: {  	_ =	shalt  }
0x46: {  	_ =	shalt  }
0x47: {  	_ =	shalt  }
0x48: {  	_ =	shalt  }
0x49: {  	_ =	shalt  }
0x4a: {  	_ =	shalt  }
0x4b: {  	_ =	shalt  }
0x4c: {  	_ =	shalt  }
0x4d: {  	_ =	shalt  }
0x4e: {  	_ =	shalt  }
0x4f: {  	_ =	shalt  }
0x50: {  	_ =	shalt  }
0x51: {  	_ =	shalt  }
0x52: {  	_ =	shalt  }
0x53: {  	_ =	shalt  }
0x54: {  	_ =	shalt  }
0x55: {  	_ =	shalt  }
0x56: {  	_ =	shalt  }
0x57: {  	_ =	shalt  }
0x58: {  	_ =	shalt  }
0x59: {  	_ =	shalt  }
0x5a: {  	_ =	shalt  }
0x5b: {  	_ =	shalt  }
0x5c: {  	_ =	shalt  }
0x5d: {  	_ =	shalt  }
0x5e: {  	_ =	shalt  }
0x5f: {  	_ =	shalt  }
0x60: {  	_ =	shalt  }
0x61: {  	_ =	shalt  }
0x62: {  	_ =	shalt  }
0x63: {  	_ =	shalt  }
0x64: {  	_ =	shalt  }
0x65: {  	_ =	shalt  }
0x66: {  	_ =	shalt  }
0x67: {  	_ =	shalt  }
0x68: {  	_ =	shalt  }
0x69: {  	_ =	shalt  }
0x6a: {  	_ =	shalt  }
0x6b: {  	_ =	shalt  }
0x6c: {  	_ =	shalt  }
0x6d: {  	_ =	shalt  }
0x6e: {  	_ =	shalt  }
0x6f: {  	_ =	shalt  }
0x70: {  	_ =	shalt  }
0x71: {  	_ =	shalt  }
0x72: {  	_ =	shalt  }
0x73: {  	_ =	shalt  }
0x74: {  	_ =	shalt  }
0x75: {  	_ =	shalt  }
0x76: {  	_ =	shalt  }
0x77: {  	_ =	shalt  }
0x78: {  	_ =	shalt  }
0x79: {  	_ =	shalt  }
0x7a: {  	_ =	shalt  }
0x7b: {  	_ =	shalt  }
0x7c: {  	_ =	shalt  }
0x7d: {  	_ =	shalt  }
0x7e: {  	_ =	shalt  }
0x7f: {  	_ =	shalt  }
0x80: {  	_ =	shalt  }
0x81: {  	_ =	shalt  }
0x82: {  	_ =	shalt  }
0x83: {  	_ =	shalt  }
0x84: {  	_ =	shalt  }
0x85: {  	_ =	shalt  }
0x86: {  	_ =	shalt  }
0x87: {  	_ =	shalt  }
.Lfunc_end0:
.L_simem_size_0:
called_computation_lowered:
.L_overlay_start_0:
0x88: {  	s2 =	sld [smem:$0x3FD9]  }
0x89: {  	s3 =	sld [smem:$0x3FFE];
	_ =	sdelay $0x1  }
0x8a: {  	s1 =	srdreg.scid  }
0x8b: {  	s0 =	sand.u32 $0x1, s1  }
0x8c: {  	s14 =	sshll.u32 s0, $0xA;
	s2 =	sadd.s32 s3, s2  }
0x8d: {  	s2 =	sadd.s32 s2, s14  }
0x8e: {  	[smem:$0x3FC5] =	sst s2  }
0x8f: {  	_ = 	snop  }
0x90: {  	s2 =	sld [smem:$0x3FD0]  }
0x91: {  	s15 =	sld [smem:$0x3FC9]  }
0x92: {  	s4 =	sld [smem:$0x3FC8]  }
0x93: {  	s6 =	simm.s32 $0xA;
	s7 =	simm.s32 $0x10;
	s5 =	sld [smem:$0x3FC7]  }
0x94: {  	[smem:s7], [sflag:s6] =	dma.local [hbm:s2], $0x1  }
0x95: {  	_ =	swait.eq [sflag:s6], $0x1  }
0x96: {  	[sflag:s6] =	ssyncset.done $0x0  }
0x97: {  	[sflag:s6] =	ssyncadd.s32 $0xFFFFFFFF  }
0x98: {  	s16 =	sld [smem:$0x10];
	(tm) =	ssettm $0x1  }
0x99: {  	s17 =	sld [smem:$0x3FFB];
	_ =	sdelay $0x3  }
0x9a: {  	_ =	strace s17  }
0x9b: {  	s6 =	sld [smem:$0x3FFC];
	_ =	sdelay $0x3  }
0x9c: {  	_ =	strace s6  }
0x9d: {  	s6 =	sld [smem:$0x3FFD];
	_ =	sdelay $0x3  }
0x9e: {  	_ =	strace s6  }
0x9f: {  	_ =	strace $0x8FFFFFFF  }
0xa0: {  	s18 =	sld [smem:$0x3FDB];
	_ =	sdelay $0x1  }
0xa1: {  	s19 =	simm.s32 $_scs_section_size  }
0xa2: {  	s8 =	simm.s32 $_size__tile_overlayer_lowered;
	s9 =	simm.s32 $_tile_overlayer_lowered  }
0xa3: {  	s22 =	simm.s32 $0x1BFF;
	s21 =	sshll.u32 s9, $0x1;
	s6 =	sadd.s32 s19, s18  }
0xa4: {  	s10 =	simm.s32 $0x0;
	s20 =	sshll.u32 s8, $0x1;
	s8 =	sadd.s32 s21, s6  }
0xa5: {  	[timem:s10], [sflag:s22] =	dma.local [hbm:s8], s20  }
0xa6: {  	_ =	swait.ge [sflag:s22], s20  }
0xa7: {  	s7 =	ssub.s32 $0x0, s20;
	[sflag:s22] =	ssyncset.done $0x0  }
0xa8: {  	[sflag:s22] =	ssyncadd.s32 s7;
	_ =	sdelay $0x1  }
0xa9: {  	s23 =	simm.s32 $0x1B8B  }
0xaa: {  	_ =	swait.ge [sflag:s23], $0x1  }
0xab: {  	[sflag:s23] =	ssyncset.done $0x0  }
0xac: {  	s25 =	simm.s32 $0x1B8E;
	s24 =	sld [smem:$0x3FFE];
	[sflag:s23] =	ssyncadd.s32 $0xFFFFFFFF  }
0xad: {  	s26 =	simm.s32 $execute0_lowered;
	[smem:$0x3FD2] =	sst s25  }
0xae: {  	s8 =	sshll.u32 s26, $0x1;
	_ =	strace $0x80000046;
	[dreg:$0x1] =	wrdreg $0xFFFFFFFF  }
0xaf: {  	s28 =	simm.s32 $_size_execute0_lowered;
	s6 =	sadd.s32 s6, s8;
	[dreg:$0x0] =	wrdreg $0x0  }
0xb0: {  	s8 =	sshll.u32 s28, $0x1;
	[dreg:$0x2] =	wrdreg s6  }
0xb1: {  	[dreg:$0x3] =	wrdreg s8  }
0xb2: {  	[dreg:$0x4] =	wrdreg $0xC0  }
0xb3: {  	_ =	task [dreg:s10], $0x5FFFF  }
0xb4: {  	[dreg:$0x1] =	wrdreg $0xFFFFFFFF  }
0xb5: {  	[dreg:$0x0] =	wrdreg $0x60  }
0xb6: {  	[dreg:$0x2] =	wrdreg s15  }
0xb7: {  	[dreg:$0x3] =	wrdreg s4  }
0xb8: {  	[dreg:$0x4] =	wrdreg s5  }
0xb9: {  	[dreg:$0x5] =	wrdreg s24  }
0xba: {  	[dreg:$0x6] =	wrdreg s16  }
0xbb: {  	[dreg:$0x7] =	wrdreg $0x9  }
0xbc: {  	_ =	task.clear_ibuf [dreg:s10], $0x8FFFF;
	_ =	strace $0x90000046  }
0xbd: {  	s29 =	simm.s32 $0x9;
	_ =	strace $0x80000048  }
0xbe: {  	_ =	swait.ge [sflag:s29], $0x1  }
0xbf: {  	[sflag:s29] =	ssyncadd.s32 $0xFFFFFFFF  }
0xc0: {  	_ =	strace $0x90000048  }
0xc1: {  	_ =	sfence  }
0xc2: {  	s30 =	sld [smem:$0x0];
	_ =	sdelay $0x2  }
0xc3: {  	s31 =	sshll.u32 s1, $0xD;
	s1 =	sshrl.u32 s1, $0x2  }
0xc4: {  	s3 =	sand.u32 $0x4000, s31;
	s1 =	sadd.s32 s1, s30  }
0xc5: {  	s0 =	sor.u32 s3, s0;
	s1 =	sshll.u32 s1, $0x11  }
0xc6: {  	s0 =	sor.u32 s1, s0  }
0xc7: {  	s0 =	sadd.s32 $0x8F2B, s0  }
0xc8: {  	[sflag:s0] =	ssyncadd.remote.s32 $0x1  }
0xc9: {  	_ =	sfence.sel $0xFFFF  }
0xca: {  	[dreg:$0x0] =	wrdreg $0xFFFFFFFF;
	(pc) =	sbr.abs _section_cstart, $3  }
0xcb: {  	[dreg:$0x1] =	wrdreg $0xFFFFFFFF  }
0xcc: {  	_ =	task.clear_ibuf [dreg:s10], $0x2FFFF;
	_ =	strace $0x9FFFFFFF  }
0xcd: {  	(tm) =	ssettm $0x7FFFFFFF  }
tec
execute0_lowered:
.L_overlay_start_1:
0x0: {  	(tag) =	ssettag $0x1  }
0x1: {  	s0 =	rddreg [dreg:$0x0]  }
0x2: {  	s1 =	rddreg [dreg:$0x3]  }
0x3: {  	s2 =	srdreg.scid;
	s8 =	stileid.u32  }
0x4: {  	s5 =	rddreg [dreg:$0x4];
	s6 =	simm.s32 $0x0;
	s13 =	simm.s32 $0x6  }
0x5: {  	s16 =	simm.s32 $0x80;
	s17 =	simm.s32 $0x400;
	s18 =	simm.s32 $0x5  }
0x6: {  	s2 =	sand.u32 $0x1, s2;
	s3 =	sshll.u32 s8, $0x1;
	[smem:$0x7FF] =	sst s6  }
0x7: {  	s28 =	sshll.u32 s8, $0x8;
	s1 =	sadd.s32 $0x600, s1;
	p0 =	sgt.u32 s8, $0x7  }
0x8: {  	s7 =	sor.u32 s2, s3;
	_ =	strace $0x80000047;
	s2 =	ssub.s32 $0x2, s2  }
0x9: {  	[dreg:$0x6] =	wrdreg s1;
	s4 =	sshll.u32 s7, $0x4;
	s29 =	sshrl.u32 s2, $0x1  }
.Ltmp0:
0xa: {  	s3 =	sor.u32 s4, s28;
	s1 =	ssub.s32 s2, s29;
	(pc) =	sbr.rel .LBB2_1-.Ltmp0, $4  }
0xb: {  	s3 =	sand.u32 $0x470, s3;
	s12 =	smax.u32 s1, $0x1;
	s1 =	simm.s32 @!p0 $0x0  }
0xc: {  	s19 =	simm.s32 $0x0;
	s3 =	sadd.s32 s3, s5;
	s1 =	simm.s32 @p0 $0x1  }
0xd: {  	s30 =	sshll.u32 s7, $0xC;
	s31 =	sadd.s32 $0x400000, s3;
	[smem:$0x7FD] =	sst s1  }
0xe: {  	v0 =	vimm.s32 $0x0;
	vm0 =	vmmov $0x1;
	v1 =	vlaneseq.u32;
	s9 =	sor.u32 $0x220, s7;
	s10 =	sadd.s32 s0, s30;
	[dreg:$0x7] =	wrdreg s31  }
.LBB2_34:
0xf: {  	[sflag:s18] =	ssyncadd.s32 $0xFFFF8000  }
.LBB2_35:
0x10: {  	s1 =	sld [smem:$0x7FD];
	_ =	sdelay $0x1  }
0x11: {  	s19 =	sadd.s32 $0x1, s19  }
0x12: {  	s4 =	rddreg [dreg:$0x7];
	p0 =	sne.s32 s19, s12;
	p1 =	seq.s32 s1, $0x1  }
0x13: {  	s1 =	simm.s32 @!p1 $0x80;
	s2 =	simm.s32 @!p1 $0x400;
	s3 =	simm.s32 @!p1 $0x0  }
0x14: {  	[hbm4b:s4+s1] =	stream.strided.scatter @!p1 [tilespmem:s3], [sflag:$0x6], $0x400, s2, s1, $0x38;
	[tilespmem:$0x18480] =	vst v63  }
.Ltmp1:
0x15: {  	_ = 	snop;
	(pc) =	sbr.rel @!p0 .LBB2_36-.Ltmp1, $4  }
0x16: {  	s1 =	simm.s32 @!p1 $0x6  }
0x17: {  	_ =	swait.ge @!p1 [sflag:s1], $0x400  }
0x18: {  	[sflag:s1] =	ssyncset.done @!p1 $0x0  }
0x19: {  	[sflag:s1] =	ssyncadd.s32 @!p1 $0xFFFFFC00  }
.LBB2_1:
0x1a: {  	s1 =	rddreg [dreg:$0x6]  }
0x1b: {  	[tilespmem:s6], [sflag:$0x6] =	stream.linear.gather [hbm4b:s1+s6], $0x8000, $0x38;
	[tilespmem:$0x18480] =	vst v63  }
0x1c: {  	_ =	swait.ge [sflag:s13], $0x8000  }
0x1d: {  	[sflag:s13] =	ssyncset.done $0x0  }
0x1e: {  	[sflag:s13] =	ssyncadd.s32 $0xFFFF8000  }
0x1f: {  	s2 =	simm.s32 $0x8000;
	s28 =	rddreg [dreg:$0x2]  }
0x20: {  	[tilespmem:s2], [sflag:$0x6] =	stream.linear.gather [hbm4b:s28+s6], $0x400, $0x38;
	[tilespmem:$0x18480] =	vst v63  }
0x21: {  	_ =	swait.ge [sflag:s13], $0x400  }
0x22: {  	[sflag:s13] =	ssyncset.done $0x0  }
0x23: {  	[sflag:s13] =	ssyncadd.s32 $0xFFFFFC00  }
0x24: {  	s30 =	simm.s32 $0x8400;
	s29 =	rddreg [dreg:$0x1]  }
0x25: {  	[tilespmem:s30], [sflag:$0x6] =	stream.linear.gather [hbm4b:s29+s6], $0x80, $0x38;
	[tilespmem:$0x18480] =	vst v63  }
0x26: {  	_ =	swait.ge [sflag:s13], $0x80  }
0x27: {  	[sflag:s13] =	ssyncset.done $0x0  }
0x28: {  	[sflag:s13] =	ssyncadd.s32 $0xFFFFFF80  }
0x29: {  	v2 =	vld [tilespmem:$0x8400];
	_ =	sdelay $0x4  }
0x2a: {  	v3 =	vshra.s32 v2, $0x1F;
	v4 =	vand.u32 $0x1F, v2  }
0x2b: {  	vm1 =	vlt.s32 v2, $0x1;
	v3 =	vshrl.u32 v3, $0x1B;
	vm2 =	vne.s32 v4, $0x0  }
0x2c: {  	v3 =	vadd.s32 v3, v2;
	vm1 =	vmand vm1, vm2  }
0x2d: {  	v3 =	vshra.s32 v3, $0x5;
	v4 =	vsel vm1, $0xFFFFFFFF, v0  }
0x2e: {  	v3 =	vadd.s32 v4, v3  }
0x2f: {  	v4 =	vnsel vm0, $0x0, v3  }
0x30: {  	(xrf0) =	vadd.scan.msk.s32 $0xffff, v4;
	_ =	sdelay $0x5  }
0x31: {  	v4, _, _ =	vpop (xrf0)  }
0x32: {  	(v2sf) =	vpush v4, $0xF;
	_ =	sdelay $0xe  }
0x33: {  	s31 =	spop (v2sf)  }
0x34: {  	p0 =	sge.s32 s7, s31  }
.Ltmp2:
0x35: {  	_ = 	snop;
	(pc) =	sbr.rel @p0 .LBB2_5-.Ltmp2, $1  }
0x36: {  	_ =	sdelay $0x3  }
0x37: {  	s1 =	simm.s32 $0x8480  }
0x38: {  	[tilespmem:s1], [sflag:$0x1] =	stream.strided.gather [hbm4b:s10+s16], $0x400, s17, s16, $0x38;
	[tilespmem:$0x18480] =	vst v63  }
0x39: {  	s20 =	sadd.s32 $0x10, s10;
	s2 =	simm.s32 $0x8880  }
0x3a: {  	[tilespmem:s2], [sflag:$0x1] =	stream.strided.gather [hbm4b:s20+s16], $0x400, s17, s16, $0x38;
	[tilespmem:$0x18480] =	vst v63  }
0x3b: {  	s21 =	sadd.s32 $0x20, s10;
	s22 =	simm.s32 $0x8C80;
	s23 =	sadd.s32 $0x30, s10  }
0x3c: {  	[tilespmem:s22], [sflag:$0x1] =	stream.strided.gather [hbm4b:s21+s16], $0x400, s17, s16, $0x38;
	[tilespmem:$0x18480] =	vst v63  }
0x3d: {  	s24 =	simm.s32 $0x9080;
	s25 =	sadd.s32 $0x40, s10;
	s26 =	simm.s32 $0x9480  }
0x3e: {  	[tilespmem:s24], [sflag:$0x1] =	stream.strided.gather [hbm4b:s23+s16], $0x400, s17, s16, $0x38;
	[tilespmem:$0x18480] =	vst v63  }
0x3f: {  	s28 =	sadd.s32 $0x50, s10;
	s29 =	simm.s32 $0x9880;
	s30 =	sadd.s32 $0x60, s10  }
0x40: {  	[tilespmem:s26], [sflag:$0x1] =	stream.strided.gather [hbm4b:s25+s16], $0x400, s17, s16, $0x38;
	[tilespmem:$0x18480] =	vst v63  }
0x41: {  	s31 =	simm.s32 $0x9C80;
	s3 =	sadd.s32 $0x70, s10;
	s14 =	simm.s32 $0xA080  }
0x42: {  	[tilespmem:s29], [sflag:$0x1] =	stream.strided.gather [hbm4b:s28+s16], $0x400, s17, s16, $0x38;
	[tilespmem:$0x18480] =	vst v63  }
0x43: {  	s4 =	sadd.s32 $0x400, s10;
	s1 =	simm.s32 $0x2000;
	s2 =	simm.s32 $0x10000  }
0x44: {  	[tilespmem:s31], [sflag:$0x1] =	stream.strided.gather [hbm4b:s30+s16], $0x400, s17, s16, $0x38;
	[tilespmem:$0x18480] =	vst v63  }
.LBB2_3:
0x45: {  	[tilespmem:s14], [sflag:$0x1] =	stream.strided.gather [hbm4b:s3+s16], $0x400, s17, s16, $0x38;
	[tilespmem:$0x18480] =	vst v63  }
0x46: {  	s8 =	smov.u32 s1;
	s1 =	smov.u32 s2  }
0x47: {  	s15 =	sadd.s32 $0x8000, s2;
	s1 =	sshra.s32 s1, $0x2;
	s3 =	sadd.s32 $0x8480, s8  }
0x48: {  	[tilespmem:s3], [sflag:$0x1] =	stream.strided.gather [hbm4b:s4+s16], $0x400, s17, s16, $0x38;
	[tilespmem:$0x18480] =	vst v63  }
0x49: {  	p1 =	sne.s32 s2, $0x18000;
	s2 =	sadd.s32 $0x10, s4;
	s3 =	sadd.s32 $0x8880, s8  }
0x4a: {  	[tilespmem:s3], [sflag:$0x1] =	stream.strided.gather [hbm4b:s2+s16], $0x400, s17, s16, $0x38;
	[tilespmem:$0x18480] =	vst v63  }
0x4b: {  	s2 =	sadd.s32 $0x20, s4;
	s3 =	sadd.s32 $0x8C80, s8  }
0x4c: {  	[tilespmem:s3], [sflag:$0x1] =	stream.strided.gather [hbm4b:s2+s16], $0x400, s17, s16, $0x38;
	[tilespmem:$0x18480] =	vst v63  }
0x4d: {  	s2 =	sadd.s32 $0x30, s4;
	s3 =	sadd.s32 $0x9080, s8  }
0x4e: {  	[tilespmem:s3], [sflag:$0x1] =	stream.strided.gather [hbm4b:s2+s16], $0x400, s17, s16, $0x38;
	[tilespmem:$0x18480] =	vst v63  }
0x4f: {  	s2 =	sadd.s32 $0x40, s4;
	s3 =	sadd.s32 $0x9480, s8  }
0x50: {  	[tilespmem:s3], [sflag:$0x1] =	stream.strided.gather [hbm4b:s2+s16], $0x400, s17, s16, $0x38;
	[tilespmem:$0x18480] =	vst v63  }
.Ltmp3:
0x51: {  	s2 =	sadd.s32 $0x50, s4;
	s3 =	sadd.s32 $0x9880, s8;
	(pc) =	sbr.rel @p1 .LBB2_3-.Ltmp3, $4  }
0x52: {  	[tilespmem:s3], [sflag:$0x1] =	stream.strided.gather [hbm4b:s2+s16], $0x400, s17, s16, $0x38;
	[tilespmem:$0x18480] =	vst v63  }
0x53: {  	s14 =	sadd.s32 $0xA080, s8;
	s2 =	sadd.s32 $0x60, s4;
	s3 =	sadd.s32 $0x9C80, s8  }
0x54: {  	[tilespmem:s3], [sflag:$0x1] =	stream.strided.gather [hbm4b:s2+s16], $0x400, s17, s16, $0x38;
	[tilespmem:$0x18480] =	vst v63  }
0x55: {  	s3 =	sadd.s32 $0x70, s4;
	s4 =	sadd.s32 $0x400, s4;
	s2 =	smov.u32 s15  }
0x56: {  	[tilespmem:s14], [sflag:$0x1] =	stream.strided.gather [hbm4b:s3+s16], $0x400, s17, s16, $0x38;
	[tilespmem:$0x18480] =	vst v63  }
0x57: {  	s2 =	sadd.s32 $0x8480, s1  }
0x58: {  	[tilespmem:s2], [sflag:$0x1] =	stream.strided.gather [hbm4b:s4+s16], $0x400, s17, s16, $0x38;
	[tilespmem:$0x18480] =	vst v63  }
0x59: {  	s11 =	sadd.s32 $0x10, s4;
	s14 =	sadd.s32 $0x8880, s1  }
0x5a: {  	[tilespmem:s14], [sflag:$0x1] =	stream.strided.gather [hbm4b:s11+s16], $0x400, s17, s16, $0x38;
	[tilespmem:$0x18480] =	vst v63  }
0x5b: {  	s15 =	sadd.s32 $0x20, s4;
	s20 =	sadd.s32 $0x8C80, s1  }
0x5c: {  	[tilespmem:s20], [sflag:$0x1] =	stream.strided.gather [hbm4b:s15+s16], $0x400, s17, s16, $0x38;
	[tilespmem:$0x18480] =	vst v63  }
0x5d: {  	s21 =	sadd.s32 $0x30, s4;
	s22 =	sadd.s32 $0x9080, s1  }
0x5e: {  	[tilespmem:s22], [sflag:$0x1] =	stream.strided.gather [hbm4b:s21+s16], $0x400, s17, s16, $0x38;
	[tilespmem:$0x18480] =	vst v63  }
0x5f: {  	s23 =	sadd.s32 $0x40, s4;
	s24 =	sadd.s32 $0x9480, s1  }
0x60: {  	[tilespmem:s24], [sflag:$0x1] =	stream.strided.gather [hbm4b:s23+s16], $0x400, s17, s16, $0x38;
	[tilespmem:$0x18480] =	vst v63  }
0x61: {  	s25 =	sadd.s32 $0x50, s4;
	s26 =	sadd.s32 $0x9880, s1  }
0x62: {  	[tilespmem:s26], [sflag:$0x1] =	stream.strided.gather [hbm4b:s25+s16], $0x400, s17, s16, $0x38;
	[tilespmem:$0x18480] =	vst v63  }
0x63: {  	s28 =	sadd.s32 $0x60, s4;
	s29 =	sadd.s32 $0x9C80, s1  }
0x64: {  	[tilespmem:s29], [sflag:$0x1] =	stream.strided.gather [hbm4b:s28+s16], $0x400, s17, s16, $0x38;
	[tilespmem:$0x18480] =	vst v63  }
0x65: {  	s30 =	sadd.s32 $0x70, s4;
	s31 =	sadd.s32 $0xA080, s1  }
0x66: {  	[tilespmem:s31], [sflag:$0x1] =	stream.strided.gather [hbm4b:s30+s16], $0x400, s17, s16, $0x38;
	[tilespmem:$0x18480] =	vst v63  }
.LBB2_5:
.Ltmp4:
0x67: {  	(pc) =	sbr.rel .LBB2_6-.Ltmp4, $3  }
0x68: {  	_ =	sdelay $0x1  }
0x69: {  	s1 =	simm.s32 $0x0;
	p1 =	por $0x1, $0x1;
	p2 =	por $0x0, $0x0  }
0x6a: {  	s20 =	simm.s32 $0x0;
	s4 =	simm.s32 $0x0;
	s21 =	simm.s32 $0x0  }
.LBB2_30:
0x6b: {  	p0 =	seq.s32 s25, s22  }
0x6c: {  	s28 =	simm.s32 @p0 $0x0;
	p0 =	sne.s32 s21, $0x20  }
.Ltmp5:
0x6d: {  	s1 =	simm.s32 $0x1;
	(pc) =	sbr.rel @!p0 .LBB2_31-.Ltmp5, $4  }
0x6e: {  	s2 =	simm.s32 $0x1;
	s1 =	simm.s32 @!p5 $0x0  }
0x6f: {  	s4 =	smov.u32 s23;
	s2 =	simm.s32 @!p4 $0x0;
	s1 =	sadd.s32 s1, s20  }
0x70: {  	p1 =	por !p1, !p1;
	s20 =	ssub.s32 s1, s2;
	s1 =	smov.u32 s28  }
0x71: {  	p2 =	por !p2, !p2;
	s4 =	smov.u32 @p3 s28;
	s1 =	smov.u32 @p3 s23  }
.LBB2_6:
0x72: {  	s8 =	smov.u32 s21;
	s29 =	sshrl.u32 s21, $0x1;
	s21 =	sadd.s32 $0x1, s21  }
0x73: {  	v4 =	vmov s29;
	s2 =	sshrl.u32 s21, $0x1  }
0x74: {  	vm1 =	veq.s32 v4, v1;
	s2 =	smin.u32 s2, $0xF  }
0x75: {  	v4 =	vnsel vm1, $0x0, v3;
	v5 =	vmov s2  }
0x76: {  	(xrf0) =	vadd.scan.msk.s32 $0xffff, v4;
	v4 =	vnsel vm1, $0x0, v2;
	vm1 =	veq.s32 v5, v1  }
0x77: {  	(xrf0) =	vadd.scan.msk.s32 $0xffff, v4;
	v4 =	vnsel vm1, $0x0, v3  }
0x78: {  	(xrf0) =	vadd.scan.msk.s32 $0xffff, v4;
	_ =	sdelay $0x3  }
0x79: {  	v4, _, _ =	vpop (xrf0)  }
0x7a: {  	v5, _, _ =	vpop (xrf0);
	(v2sf) =	vpush v4, $0xF  }
0x7b: {  	(v2sf) =	vpush v5, $0xF;
	v4, _, _ =	vpop (xrf0)  }
0x7c: {  	(v2sf) =	vpush v4, $0xF;
	_ =	sdelay $0xa  }
0x7d: {  	s3 =	smul.u32 $0xF, s2;
	_ =	sdelay $0x1  }
0x7e: {  	s14 =	sshll.u32 s21, $0x5;
	s3 =	sadd.s32 s7, s3;
	s22 =	spop (v2sf)  }
0x7f: {  	s14 =	sand.u32 $0x20, s14;
	s3 =	sand.u32 $0x1F, s3;
	s24 =	spop (v2sf)  }
0x80: {  	p0 =	seq.s32 s8, $0x1F;
	s3 =	sor.u32 s14, s3;
	s14 =	spop (v2sf)  }
0x81: {  	p4 =	sge.s32 @!p0 s3, s14  }
0x82: {  	p4 =	por p0, p4  }
.Ltmp6:
0x83: {  	_ = 	snop;
	(pc) =	sbr.rel @p4 .LBB2_7-.Ltmp6, $4  }
0x84: {  	_ = 	snop  }
0x85: {  	s30 =	sand.u32 $0x1, s8  }
0x86: {  	s23 =	smov.u32 s4;
	p3 =	seq.s32 s30, $0x0  }
0x87: {  	s23 =	smov.u32 @p3 s1  }
0x88: {  	s8 =	simm.s32 $0x1  }
0x89: {  	s14 =	sxor.u32 $0x1, s30;
	p0 =	slt.s32 s23, $0x1;
	s2 =	sshll.u32 s2, $0x12  }
0x8a: {  	s3 =	sshll.u32 s3, $0xC;
	s8 =	simm.s32 @!p1 $0x0;
	s15 =	sadd.s32 @!p0 $0x3, s14  }
0x8b: {  	s2 =	sor.u32 s2, s3;
	s8 =	sshll.u32 s8, $0xF;
	_ =	swait.ge @!p0 [sflag:s15], $0x8000  }
0x8c: {  	s25 =	sadd.s32 $0x1, s14;
	[sflag:s15] =	ssyncset.done @!p0 $0x0;
	s26 =	sadd.s32 $0x8480, s8  }
0x8d: {  	s8 =	sadd.s32 s0, s2;
	[sflag:s15] =	ssyncadd.s32 @!p0 $0xFFFF8000;
	s14 =	sadd.s32 $0x0, s26  }
0x8e: {  	[tilespmem:s14], [sflag:s25] =	stream.strided.gather [hbm4b:s8+s16], $0x400, s17, s16, $0x38;
	[tilespmem:$0x18480] =	vst v63  }
0x8f: {  	s2 =	sadd.s32 $0x10, s8;
	s11 =	sadd.s32 $0x400, s14  }
0x90: {  	[tilespmem:s11], [sflag:s25] =	stream.strided.gather [hbm4b:s2+s16], $0x400, s17, s16, $0x38;
	[tilespmem:$0x18480] =	vst v63  }
0x91: {  	s15 =	sadd.s32 $0x20, s8;
	s23 =	sadd.s32 $0x800, s14  }
0x92: {  	[tilespmem:s23], [sflag:s25] =	stream.strided.gather [hbm4b:s15+s16], $0x400, s17, s16, $0x38;
	[tilespmem:$0x18480] =	vst v63  }
0x93: {  	s3 =	sadd.s32 $0x30, s8;
	s11 =	sadd.s32 $0xC00, s14  }
0x94: {  	[tilespmem:s11], [sflag:s25] =	stream.strided.gather [hbm4b:s3+s16], $0x400, s17, s16, $0x38;
	[tilespmem:$0x18480] =	vst v63  }
0x95: {  	s31 =	simm.s32 $0x2000;
	s15 =	sadd.s32 $0x40, s8;
	s23 =	sadd.s32 $0x1000, s14  }
0x96: {  	[tilespmem:s23], [sflag:s25] =	stream.strided.gather [hbm4b:s15+s16], $0x400, s17, s16, $0x38;
	[tilespmem:$0x18480] =	vst v63  }
0x97: {  	s28 =	sadd.s32 $0x400, s8;
	s3 =	sadd.s32 $0x50, s8;
	s11 =	sadd.s32 $0x1400, s14  }
0x98: {  	[tilespmem:s11], [sflag:s25] =	stream.strided.gather [hbm4b:s3+s16], $0x400, s17, s16, $0x38;
	[tilespmem:$0x18480] =	vst v63  }
0x99: {  	s2 =	simm.s32 $0x10000;
	s15 =	sadd.s32 $0x60, s8;
	s23 =	sadd.s32 $0x1800, s14  }
0x9a: {  	[tilespmem:s23], [sflag:s25] =	stream.strided.gather [hbm4b:s15+s16], $0x400, s17, s16, $0x38;
	[tilespmem:$0x18480] =	vst v63  }
0x9b: {  	s14 =	sadd.s32 $0x1C00, s14;
	s3 =	sadd.s32 $0x70, s8;
	s23 =	simm.s32 $0x0  }
.LBB2_9:
0x9c: {  	[tilespmem:s14], [sflag:s25] =	stream.strided.gather [hbm4b:s3+s16], $0x400, s17, s16, $0x38;
	[tilespmem:$0x18480] =	vst v63  }
0x9d: {  	s3 =	smov.u32 s2  }
0x9e: {  	s8 =	sadd.s32 $0x8000, s2;
	s14 =	sadd.s32 s31, s26;
	s31 =	sshra.s32 s3, $0x2  }
0x9f: {  	[tilespmem:s14], [sflag:s25] =	stream.strided.gather [hbm4b:s28+s16], $0x400, s17, s16, $0x38;
	[tilespmem:$0x18480] =	vst v63  }
0xa0: {  	p4 =	sne.s32 s2, $0x18000;
	s2 =	sadd.s32 $0x10, s28;
	s3 =	sadd.s32 $0x400, s14  }
0xa1: {  	[tilespmem:s3], [sflag:s25] =	stream.strided.gather [hbm4b:s2+s16], $0x400, s17, s16, $0x38;
	[tilespmem:$0x18480] =	vst v63  }
0xa2: {  	s2 =	sadd.s32 $0x20, s28;
	s3 =	sadd.s32 $0x800, s14  }
0xa3: {  	[tilespmem:s3], [sflag:s25] =	stream.strided.gather [hbm4b:s2+s16], $0x400, s17, s16, $0x38;
	[tilespmem:$0x18480] =	vst v63  }
0xa4: {  	s2 =	sadd.s32 $0x30, s28;
	s3 =	sadd.s32 $0xC00, s14  }
0xa5: {  	[tilespmem:s3], [sflag:s25] =	stream.strided.gather [hbm4b:s2+s16], $0x400, s17, s16, $0x38;
	[tilespmem:$0x18480] =	vst v63  }
0xa6: {  	s2 =	sadd.s32 $0x40, s28;
	s3 =	sadd.s32 $0x1000, s14  }
0xa7: {  	[tilespmem:s3], [sflag:s25] =	stream.strided.gather [hbm4b:s2+s16], $0x400, s17, s16, $0x38;
	[tilespmem:$0x18480] =	vst v63  }
.Ltmp7:
0xa8: {  	s2 =	sadd.s32 $0x50, s28;
	s3 =	sadd.s32 $0x1400, s14;
	(pc) =	sbr.rel @p4 .LBB2_9-.Ltmp7, $4  }
0xa9: {  	[tilespmem:s3], [sflag:s25] =	stream.strided.gather [hbm4b:s2+s16], $0x400, s17, s16, $0x38;
	[tilespmem:$0x18480] =	vst v63  }
0xaa: {  	s2 =	sadd.s32 $0x60, s28;
	s3 =	sadd.s32 $0x1800, s14;
	s14 =	sadd.s32 $0x1C00, s14  }
0xab: {  	[tilespmem:s3], [sflag:s25] =	stream.strided.gather [hbm4b:s2+s16], $0x400, s17, s16, $0x38;
	[tilespmem:$0x18480] =	vst v63  }
0xac: {  	s3 =	sadd.s32 $0x70, s28;
	s28 =	sadd.s32 $0x400, s28;
	s2 =	smov.u32 s8  }
0xad: {  	[tilespmem:s14], [sflag:s25] =	stream.strided.gather [hbm4b:s3+s16], $0x400, s17, s16, $0x38;
	[tilespmem:$0x18480] =	vst v63  }
0xae: {  	s2 =	sadd.s32 s31, s26  }
0xaf: {  	[tilespmem:s2], [sflag:s25] =	stream.strided.gather [hbm4b:s28+s16], $0x400, s17, s16, $0x38;
	[tilespmem:$0x18480] =	vst v63  }
0xb0: {  	s31 =	sadd.s32 $0x10, s28;
	s8 =	sadd.s32 $0x400, s2  }
0xb1: {  	[tilespmem:s8], [sflag:s25] =	stream.strided.gather [hbm4b:s31+s16], $0x400, s17, s16, $0x38;
	[tilespmem:$0x18480] =	vst v63  }
0xb2: {  	s11 =	sadd.s32 $0x800, s2;
	s8 =	sadd.s32 $0x20, s28  }
0xb3: {  	[tilespmem:s11], [sflag:s25] =	stream.strided.gather [hbm4b:s8+s16], $0x400, s17, s16, $0x38;
	[tilespmem:$0x18480] =	vst v63  }
0xb4: {  	s14 =	sadd.s32 $0x30, s28;
	s15 =	sadd.s32 $0xC00, s2  }
0xb5: {  	[tilespmem:s15], [sflag:s25] =	stream.strided.gather [hbm4b:s14+s16], $0x400, s17, s16, $0x38;
	[tilespmem:$0x18480] =	vst v63  }
0xb6: {  	s26 =	sadd.s32 $0x40, s28;
	s31 =	sadd.s32 $0x1000, s2  }
0xb7: {  	[tilespmem:s31], [sflag:s25] =	stream.strided.gather [hbm4b:s26+s16], $0x400, s17, s16, $0x38;
	[tilespmem:$0x18480] =	vst v63  }
0xb8: {  	s11 =	sadd.s32 $0x50, s28;
	s14 =	sadd.s32 $0x1400, s2  }
0xb9: {  	[tilespmem:s14], [sflag:s25] =	stream.strided.gather [hbm4b:s11+s16], $0x400, s17, s16, $0x38;
	[tilespmem:$0x18480] =	vst v63  }
.Ltmp8:
0xba: {  	_ = 	snop;
	(pc) =	sbr.rel .LBB2_11-.Ltmp8, $4  }
0xbb: {  	s15 =	sadd.s32 $0x60, s28;
	s26 =	sadd.s32 $0x1800, s2  }
0xbc: {  	[tilespmem:s26], [sflag:s25] =	stream.strided.gather [hbm4b:s15+s16], $0x400, s17, s16, $0x38;
	[tilespmem:$0x18480] =	vst v63  }
0xbd: {  	s31 =	sadd.s32 $0x70, s28;
	s2 =	sadd.s32 $0x1C00, s2  }
0xbe: {  	[tilespmem:s2], [sflag:s25] =	stream.strided.gather [hbm4b:s31+s16], $0x400, s17, s16, $0x38;
	[tilespmem:$0x18480] =	vst v63  }
.LBB2_7:
0xbf: {  	s23 =	smov.u32 @p0 s23  }
.LBB2_11:
0xc0: {  	s2 =	smul.u32 $0xFFFFFFEF, s29;
	_ =	sdelay $0x1  }
0xc1: {  	s2 =	sadd.s32 s9, s2  }
0xc2: {  	s3 =	sshra.s32 s2, $0x1F  }
0xc3: {  	s3 =	sshrl.u32 s3, $0x1B  }
0xc4: {  	s3 =	sadd.s32 s3, s2  }
0xc5: {  	s3 =	sand.u32 $0xFFFFFFE0, s3  }
0xc6: {  	s28 =	sshll.u32 s30, $0x5;
	s2 =	ssub.s32 s2, s3  }
0xc7: {  	s25 =	sadd.s32 s28, s2  }
0xc8: {  	p0 =	sge.s32 s25, s22  }
.Ltmp9:
0xc9: {  	_ = 	snop;
	(pc) =	sbr.rel @p0 .LBB2_12-.Ltmp9, $4  }
0xca: {  	s8 =	simm.s32 $0x1  }
0xcb: {  	s8 =	simm.s32 @!p2 $0x0  }
0xcc: {  	s31 =	sshll.u32 s8, $0xF  }
0xcd: {  	s26 =	sadd.s32 $0x8480, s31  }
0xce: {  	s2 =	sshll.u32 s29, $0xA  }
0xcf: {  	s3 =	sshll.u32 s25, $0x13;
	s4 =	sshll.u32 s29, $0x7;
	s2 =	sand.u32 $0x2000, s2  }
0xd0: {  	s1 =	sadd.s32 $0x1, s30;
	s31 =	sand.u32 $0x380, s4;
	s2 =	sor.u32 s2, s3  }
0xd1: {  	_ =	swait.ge [sflag:s1], $0x8000;
	s4 =	smov.u32 s26;
	s2 =	sor.u32 s31, s2  }
0xd2: {  	[sflag:s1] =	ssyncset.done $0x0;
	s3 =	simm.s32 $0x0;
	s2 =	sshrl.u32 s2, $0x3  }
0xd3: {  	[sflag:s1] =	ssyncadd.s32 $0xFFFF8000;
	s1 =	sadd.s32 $0x3, s30;
	s2 =	sadd.s32 s5, s2  }
.LBB2_14:
0xd4: {  	p0 =	sne.s32 s3, $0xF800  }
.Ltmp10:
0xd5: {  	_ = 	snop;
	(pc) =	sbr.rel @p0 .LBB2_14-.Ltmp10, $4  }
0xd6: {  	_ = 	snop  }
0xd7: {  	s8 =	sadd.s32 s3, s2  }
0xd8: {  	[hbm4b:s8+s16] =	stream.strided.scatter [tilespmem:s4], [sflag:s1], $0x400, s17, s16, $0x38;
	[tilespmem:$0x18480] =	vst v63  }
0xd9: {  	s3 =	sadd.s32 $0x800, s3;
	s4 =	sadd.s32 $0x400, s4  }
.Ltmp11:
0xda: {  	(pc) =	sbr.rel .LBB2_16-.Ltmp11, $2  }
0xdb: {  	_ =	sdelay $0x2  }
0xdc: {  	s28 =	simm.s32 $0x1  }
.LBB2_12:
0xdd: {  	s1 =	smov.u32 @p3 s4  }
0xde: {  	s28 =	smov.u32 s1  }
.LBB2_16:
0xdf: {  	p5 =	sgt.s32 s25, s22;
	p0 =	sgt.s32 s20, $0xB  }
0xe0: {  	p0 =	por !p0, !p5  }
0xe1: {  	p4 =	por !p0, !p0;
	p0 =	sle.s32 s25, s22  }
.Ltmp12:
0xe2: {  	_ = 	snop;
	(pc) =	sbr.rel @p0 .LBB2_20-.Ltmp12, $4  }
0xe3: {  	s1 =	simm.s32 @p4 $0x5  }
0xe4: {  	_ =	swait.ge @p4 [sflag:s1], $0x8000  }
0xe5: {  	s15 =	sshll.u32 s29, $0xA;
	s31 =	sshll.u32 s25, $0x13;
	[sflag:s1] =	ssyncset.done @p4 $0x0  }
0xe6: {  	s4 =	sand.u32 $0x2000, s15;
	[sflag:s1] =	ssyncadd.s32 @p4 $0xFFFF8000;
	s1 =	sshll.u32 s29, $0x7  }
0xe7: {  	s2 =	sor.u32 s4, s31;
	s3 =	sand.u32 $0x380, s1  }
0xe8: {  	s2 =	sor.u32 s3, s2  }
0xe9: {  	s2 =	sshrl.u32 s2, $0x3  }
0xea: {  	s14 =	simm.s32 $0x800;
	s2 =	sadd.s32 s5, s2  }
0xeb: {  	s15 =	simm.s32 $0x400;
	s3 =	simm.s32 $0x0;
	s8 =	sadd.s32 $0x0, s2  }
.LBB2_18:
0xec: {  	[hbm4b:s8+s16] =	stream.strided.scatter [tilespmem:s3], [sflag:$0x5], $0x400, s17, s16, $0x38;
	[tilespmem:$0x18480] =	vst v63  }
0xed: {  	s8 =	smov.u32 s14;
	s3 =	smov.u32 s15;
	p0 =	sne.s32 s14, $0xF800  }
.Ltmp13:
0xee: {  	s14 =	sadd.s32 $0x800, s14;
	(pc) =	sbr.rel @p0 .LBB2_18-.Ltmp13, $2  }
0xef: {  	_ =	sdelay $0x2  }
0xf0: {  	s15 =	sadd.s32 $0x400, s15;
	s8 =	sadd.s32 s8, s2  }
0xf1: {  	[hbm4b:s8+s16] =	stream.strided.scatter [tilespmem:s3], [sflag:$0x5], $0x400, s17, s16, $0x38;
	[tilespmem:$0x18480] =	vst v63  }
.LBB2_20:
0xf2: {  	p0 =	sne.s32 s25, s22  }
0xf3: {  	p6 =	slt.s32 @!p0 s28, $0x1  }
.Ltmp14:
0xf4: {  	p6 =	por p6, p0;
	(pc) =	sbr.rel @p0 .LBB2_30-.Ltmp14, $4  }
0xf5: {  	s2 =	sadd.s32 @!p6 $0x3, s30  }
0xf6: {  	_ =	swait.ge @!p6 [sflag:s2], $0x8000  }
0xf7: {  	[sflag:s2] =	ssyncset.done @!p6 $0x0  }
0xf8: {  	[sflag:s2] =	ssyncadd.s32 @!p6 $0xFFFF8000  }
0xf9: {  	s2 =	sshll.u32 s29, $0x15;
	s3 =	sshll.u32 s25, $0xF  }
0xfa: {  	s2 =	sadd.s32 s2, s3  }
0xfb: {  	s2 =	sshrl.u32 s2, $0x3  }
0xfc: {  	s15 =	sadd.s32 $0x0, s26;
	s8 =	sadd.s32 s0, s2  }
0xfd: {  	[tilespmem:s15], [sflag:$0x6] =	stream.strided.gather [hbm4b:s8+s16], $0x400, s17, s16, $0x38;
	[tilespmem:$0x18480] =	vst v63  }
0xfe: {  	s14 =	sadd.s32 $0x400, s15;
	s2 =	sadd.s32 $0x10, s8  }
0xff: {  	[tilespmem:s14], [sflag:$0x6] =	stream.strided.gather [hbm4b:s2+s16], $0x400, s17, s16, $0x38;
	[tilespmem:$0x18480] =	vst v63  }
0x100: {  	s11 =	sadd.s32 $0x20, s8;
	s14 =	sadd.s32 $0x800, s15  }
0x101: {  	[tilespmem:s14], [sflag:$0x6] =	stream.strided.gather [hbm4b:s11+s16], $0x400, s17, s16, $0x38;
	[tilespmem:$0x18480] =	vst v63  }
0x102: {  	s3 =	simm.s32 $0x10000;
	s11 =	sadd.s32 $0x30, s8;
	s14 =	sadd.s32 $0xC00, s15  }
0x103: {  	[tilespmem:s14], [sflag:$0x6] =	stream.strided.gather [hbm4b:s11+s16], $0x400, s17, s16, $0x38;
	[tilespmem:$0x18480] =	vst v63  }
0x104: {  	s2 =	sshll.u32 s30, $0xF;
	s11 =	sadd.s32 $0x40, s8;
	s14 =	sadd.s32 $0x1000, s15  }
0x105: {  	[tilespmem:s14], [sflag:$0x6] =	stream.strided.gather [hbm4b:s11+s16], $0x400, s17, s16, $0x38;
	[tilespmem:$0x18480] =	vst v63  }
0x106: {  	s30 =	sadd.s32 $0x400, s8;
	s11 =	sadd.s32 $0x50, s8;
	s14 =	sadd.s32 $0x1400, s15  }
0x107: {  	[tilespmem:s14], [sflag:$0x6] =	stream.strided.gather [hbm4b:s11+s16], $0x400, s17, s16, $0x38;
	[tilespmem:$0x18480] =	vst v63  }
0x108: {  	s29 =	sadd.s32 $0x8480, s2;
	s11 =	sadd.s32 $0x60, s8;
	s14 =	sadd.s32 $0x1800, s15  }
0x109: {  	[tilespmem:s14], [sflag:$0x6] =	stream.strided.gather [hbm4b:s11+s16], $0x400, s17, s16, $0x38;
	[tilespmem:$0x18480] =	vst v63  }
0x10a: {  	s2 =	simm.s32 $0x2000;
	s15 =	sadd.s32 $0x1C00, s15;
	s14 =	sadd.s32 $0x70, s8  }
.LBB2_22:
0x10b: {  	[tilespmem:s15], [sflag:$0x6] =	stream.strided.gather [hbm4b:s14+s16], $0x400, s17, s16, $0x38;
	[tilespmem:$0x18480] =	vst v63  }
0x10c: {  	s8 =	smov.u32 s3  }
0x10d: {  	s11 =	sadd.s32 $0x8000, s3;
	s15 =	sadd.s32 s2, s26;
	s2 =	sshra.s32 s8, $0x2  }
0x10e: {  	[tilespmem:s15], [sflag:$0x6] =	stream.strided.gather [hbm4b:s30+s16], $0x400, s17, s16, $0x38;
	[tilespmem:$0x18480] =	vst v63  }
0x10f: {  	p6 =	sne.s32 s3, $0x18000;
	s3 =	sadd.s32 $0x10, s30;
	s8 =	sadd.s32 $0x400, s15  }
0x110: {  	[tilespmem:s8], [sflag:$0x6] =	stream.strided.gather [hbm4b:s3+s16], $0x400, s17, s16, $0x38;
	[tilespmem:$0x18480] =	vst v63  }
0x111: {  	s3 =	sadd.s32 $0x20, s30;
	s8 =	sadd.s32 $0x800, s15  }
0x112: {  	[tilespmem:s8], [sflag:$0x6] =	stream.strided.gather [hbm4b:s3+s16], $0x400, s17, s16, $0x38;
	[tilespmem:$0x18480] =	vst v63  }
0x113: {  	s3 =	sadd.s32 $0x30, s30;
	s8 =	sadd.s32 $0xC00, s15  }
0x114: {  	[tilespmem:s8], [sflag:$0x6] =	stream.strided.gather [hbm4b:s3+s16], $0x400, s17, s16, $0x38;
	[tilespmem:$0x18480] =	vst v63  }
0x115: {  	s3 =	sadd.s32 $0x40, s30;
	s8 =	sadd.s32 $0x1000, s15  }
0x116: {  	[tilespmem:s8], [sflag:$0x6] =	stream.strided.gather [hbm4b:s3+s16], $0x400, s17, s16, $0x38;
	[tilespmem:$0x18480] =	vst v63  }
.Ltmp15:
0x117: {  	s3 =	sadd.s32 $0x50, s30;
	s8 =	sadd.s32 $0x1400, s15;
	(pc) =	sbr.rel @p6 .LBB2_22-.Ltmp15, $4  }
0x118: {  	[tilespmem:s8], [sflag:$0x6] =	stream.strided.gather [hbm4b:s3+s16], $0x400, s17, s16, $0x38;
	[tilespmem:$0x18480] =	vst v63  }
0x119: {  	s14 =	sadd.s32 $0x70, s30;
	s3 =	sadd.s32 $0x60, s30;
	s8 =	sadd.s32 $0x1800, s15  }
0x11a: {  	[tilespmem:s8], [sflag:$0x6] =	stream.strided.gather [hbm4b:s3+s16], $0x400, s17, s16, $0x38;
	[tilespmem:$0x18480] =	vst v63  }
0x11b: {  	s15 =	sadd.s32 $0x1C00, s15;
	s30 =	sadd.s32 $0x400, s30;
	s3 =	smov.u32 s11  }
0x11c: {  	[tilespmem:s15], [sflag:$0x6] =	stream.strided.gather [hbm4b:s14+s16], $0x400, s17, s16, $0x38;
	[tilespmem:$0x18480] =	vst v63  }
0x11d: {  	s2 =	sadd.s32 s2, s26  }
0x11e: {  	[tilespmem:s2], [sflag:$0x6] =	stream.strided.gather [hbm4b:s30+s16], $0x400, s17, s16, $0x38;
	[tilespmem:$0x18480] =	vst v63  }
0x11f: {  	s3 =	sadd.s32 $0x10, s30;
	s8 =	sadd.s32 $0x400, s2  }
0x120: {  	[tilespmem:s8], [sflag:$0x6] =	stream.strided.gather [hbm4b:s3+s16], $0x400, s17, s16, $0x38;
	[tilespmem:$0x18480] =	vst v63  }
0x121: {  	s11 =	sadd.s32 $0x800, s2;
	s8 =	sadd.s32 $0x20, s30  }
0x122: {  	[tilespmem:s11], [sflag:$0x6] =	stream.strided.gather [hbm4b:s8+s16], $0x400, s17, s16, $0x38;
	[tilespmem:$0x18480] =	vst v63  }
0x123: {  	s14 =	sadd.s32 $0x30, s30;
	s15 =	sadd.s32 $0xC00, s2  }
0x124: {  	[tilespmem:s15], [sflag:$0x6] =	stream.strided.gather [hbm4b:s14+s16], $0x400, s17, s16, $0x38;
	[tilespmem:$0x18480] =	vst v63  }
0x125: {  	s8 =	sadd.s32 $0x40, s30;
	s11 =	sadd.s32 $0x1000, s2  }
0x126: {  	[tilespmem:s11], [sflag:$0x6] =	stream.strided.gather [hbm4b:s8+s16], $0x400, s17, s16, $0x38;
	[tilespmem:$0x18480] =	vst v63  }
0x127: {  	s14 =	sadd.s32 $0x50, s30;
	s15 =	sadd.s32 $0x1400, s2  }
0x128: {  	[tilespmem:s15], [sflag:$0x6] =	stream.strided.gather [hbm4b:s14+s16], $0x400, s17, s16, $0x38;
	[tilespmem:$0x18480] =	vst v63  }
0x129: {  	s11 =	sadd.s32 $0x60, s30;
	s14 =	sadd.s32 $0x1800, s2  }
0x12a: {  	[tilespmem:s14], [sflag:$0x6] =	stream.strided.gather [hbm4b:s11+s16], $0x400, s17, s16, $0x38;
	[tilespmem:$0x18480] =	vst v63  }
0x12b: {  	s15 =	sadd.s32 $0x70, s30;
	s2 =	sadd.s32 $0x1C00, s2;
	s30 =	sshll.u32 s25, $0x5  }
0x12c: {  	[tilespmem:s2], [sflag:$0x6] =	stream.strided.gather [hbm4b:s15+s16], $0x400, s17, s16, $0x38;
	[tilespmem:$0x18480] =	vst v63  }
0x12d: {  	s2 =	ssub.s32 s24, s30  }
0x12e: {  	p0 =	sgt.s32 s2, $0x1F  }
.Ltmp16:
0x12f: {  	_ = 	snop;
	(pc) =	sbr.rel @p0 .LBB2_27-.Ltmp16, $4  }
0x130: {  	_ = 	snop  }
0x131: {  	_ =	swait.ge [sflag:s13], $0x8000  }
0x132: {  	[sflag:s13] =	ssyncset.done $0x0  }
0x133: {  	s24 =	smov.u32 s2;
	[sflag:s13] =	ssyncadd.s32 $0xFFFF8000  }
.LBB2_24:
0x134: {  	s3 =	sshll.u32 s24, $0xC  }
0x135: {  	s3 =	sshra.s32 s3, $0x2  }
0x136: {  	s30 =	sadd.s32 s3, s29;
	s3 =	simm.s32 $0x8000  }
0x137: {  	s14 =	simm.s32 $0x0;
	p6 =	seq.s32 s24, s2;
	s15 =	simm.s32 $0x10;
	v4 =	vld [tilespmem:s3+$0x0]  }
.LBB2_25:
0x138: {  	p0 =	sne.s32 s15, $0x3F0;
	_ =	sdelay $0x1  }
.Ltmp17:
0x139: {  	s8 =	sand.u32 $0x380, s14;
	(pc) =	sbr.rel @p0 .LBB2_25-.Ltmp17, $4  }
0x13a: {  	s11 =	sand.u32 $0x70, s14;
	s14 =	smov.u32 s15;
	s8 =	sadd.s32 s8, s30  }
0x13b: {  	s8 =	sadd.s32 s11, s8;
	v4 =	vpsel !p6, $0x0, v4  }
0x13c: {  	s3 =	sadd.s32 $0x10, s3;
	[tilespmem:s8+$0x0] =	vst v4  }
0x13d: {  	s15 =	sadd.s32 $0x10, s15;
	v4 =	vld [tilespmem:s3+$0x0]  }
0x13e: {  	s24 =	sadd.s32 $0x1, s24  }
0x13f: {  	p0 =	sne.s32 s24, $0x20  }
.Ltmp18:
0x140: {  	_ = 	snop;
	(pc) =	sbr.rel @p0 .LBB2_24-.Ltmp18, $4  }
0x141: {  	s3 =	sand.u32 $0x380, s14  }
0x142: {  	s8 =	sand.u32 $0x70, s14;
	s3 =	sadd.s32 s3, s30  }
0x143: {  	s3 =	sadd.s32 s8, s3;
	v4 =	vpsel !p6, $0x0, v4  }
0x144: {  	[tilespmem:s3+$0x0] =	vst v4  }
.LBB2_27:
0x145: {  	s2 =	sor.u32 s4, s31;
	s1 =	sand.u32 $0x380, s1  }
0x146: {  	s1 =	sor.u32 s1, s2  }
0x147: {  	s1 =	sshrl.u32 s1, $0x3  }
0x148: {  	s1 =	sadd.s32 s5, s1  }
0x149: {  	s3 =	sadd.s32 $0x400, s26;
	s2 =	simm.s32 $0x800;
	s4 =	sadd.s32 $0x0, s1  }
.LBB2_28:
0x14a: {  	[hbm4b:s4+s16] =	stream.strided.scatter [tilespmem:s26], [sflag:$0x6], $0x400, s17, s16, $0x38;
	[tilespmem:$0x18480] =	vst v63  }
0x14b: {  	s4 =	smov.u32 s2;
	s26 =	smov.u32 s3;
	p0 =	sne.s32 s2, $0xF800  }
.Ltmp19:
0x14c: {  	s2 =	sadd.s32 $0x800, s2;
	(pc) =	sbr.rel @p0 .LBB2_28-.Ltmp19, $2  }
0x14d: {  	_ =	sdelay $0x2  }
0x14e: {  	s3 =	sadd.s32 $0x400, s3;
	s4 =	sadd.s32 s4, s1  }
.Ltmp20:
0x14f: {  	(pc) =	sbr.rel .LBB2_30-.Ltmp20, $4  }
0x150: {  	[hbm4b:s4+s16] =	stream.strided.scatter [tilespmem:s26], [sflag:$0x6], $0x400, s17, s16, $0x38;
	[tilespmem:$0x18480] =	vst v63  }
0x151: {  	_ =	swait.ge [sflag:s13], $0x8000  }
0x152: {  	[sflag:s13] =	ssyncset.done $0x0  }
0x153: {  	[sflag:s13] =	ssyncadd.s32 $0xFFFF8000  }
.LBB2_31:
0x154: {  	p0 =	slt.s32 s23, $0x1  }
0x155: {  	s1 =	simm.s32 @!p0 $0x3  }
0x156: {  	_ =	swait.ge @!p0 [sflag:s1], $0x8000  }
0x157: {  	[sflag:s1] =	ssyncset.done @!p0 $0x0  }
0x158: {  	[sflag:s1] =	ssyncadd.s32 @!p0 $0xFFFF8000;
	p0 =	slt.s32 s20, $0x1  }
.Ltmp21:
0x159: {  	p1 =	slt.s32 s28, $0x1;
	(pc) =	sbr.rel @p0 .LBB2_35-.Ltmp21, $4  }
0x15a: {  	s1 =	simm.s32 @!p1 $0x4  }
0x15b: {  	_ =	swait.ge @!p1 [sflag:s1], $0x8000  }
0x15c: {  	[sflag:s1] =	ssyncset.done @!p1 $0x0  }
0x15d: {  	[sflag:s1] =	ssyncadd.s32 @!p1 $0xFFFF8000;
	s1 =	simm.s32 $0x0  }
0x15e: {  	s1 =	sadd.s32 $0x1, s1  }
0x15f: {  	p0 =	slt.s32 s1, s20  }
.Ltmp22:
0x160: {  	_ = 	snop;
	(pc) =	sbr.rel @!p0 .LBB2_34-.Ltmp22, $3  }
0x161: {  	_ =	sdelay $0x1  }
0x162: {  	_ =	swait.ge [sflag:s18], $0x8000  }
0x163: {  	[sflag:s18] =	ssyncset.done $0x0  }
.LBB2_33:
0x164: {  	s1 =	sadd.s32 $0x1, s1  }
0x165: {  	[sflag:s18] =	ssyncadd.s32 $0xFFFF8000;
	p0 =	slt.s32 s1, s20  }
.Ltmp23:
0x166: {  	(pc) =	sbr.rel @p0 .LBB2_33-.Ltmp23, $3  }
0x167: {  	_ =	sdelay $0x1  }
0x168: {  	_ =	swait.ge [sflag:s18], $0x8000  }
0x169: {  	[sflag:s18] =	ssyncset.done $0x0  }
.Ltmp24:
0x16a: {  	_ = 	snop;
	(pc) =	sbr.rel .LBB2_34-.Ltmp24, $1  }
0x16b: {  	_ =	sdelay $0x3  }
.LBB2_36:
0x16c: {  	_ =	sfence.sel $0x180000  }
0x16d: {  	[bflag:$0x0] =	sbarrier.arrive $0xFFFF  }
0x16e: {  	_ =	strace $0x90000047  }
0x16f: {  	s0 =	stileid.u32;
	[bflag:$0x2] =	sbarrier.arrive $0xFFFF  }
0x170: {  	p0 =	sne.s32 s0, $0x0;
	s0 =	rddreg [dreg:$0x5]  }
0x171: {  	s0 =	sadd.s32 @!p0 $0x100000, s0  }
0x172: {  	[sflag:s0] =	ssyncadd.tile.s32 @!p0 $0x1;
	_ =	shalt  }
.Lfunc_end2:
_tile_overlayer_lowered:
.L_overlay_start_2:
0x173: {  	(tag) =	ssettag $0x2  }
0x174: {  	s0 =	rddreg [dreg:$0x0];
	s2 =	stileid.u32  }
0x175: {  	s1 =	rddreg [dreg:$0x1];
	p0 =	sne.s32 s2, $0x0  }
0x176: {  	s3 =	rddreg [dreg:$0x2];
	[bflag:$0x3] =	sbarrier.arrive $0xFFFF;
	s2 =	simm.s32 @!p0 $0x1C06  }
0x177: {  	[timem:s3], [sflag:s2] =	dma.local @!p0 [hbm:s0], s1  }
0x178: {  	s0 =	simm.s32 @!p0 $0x6  }
0x179: {  	_ =	swait.ge @!p0 [sflag:s0], s1  }
0x17a: {  	s1 =	ssub.s32 @!p0 $0x0, s1;
	[sflag:s0] =	ssyncset.done @!p0 $0x0  }
0x17b: {  	[sflag:s0] =	ssyncadd.s32 @!p0 s1  }
0x17c: {  	[bflag:$0x3] =	sbarrier.arrive $0xFFFF  }
0x17d: {  	_ =	shalt  }

</sc_bundles>
